<compile_context>
chip_gen: v7x
topology: tpu7x:2x2x1
jax: 0.10.2.dev20260603
libtpu: 0.0.44.dev20260713+nightly
codegen_flags: <defaults>
</compile_context>

<pallas_src>
import functools

import jax
import jax.numpy as jnp
from jax import lax
from jax.experimental import pallas as pl
from jax.experimental.pallas import tpu as pltpu
from jax.experimental.pallas import tpu_sc as plsc

_LN2 = 0.6931471805599453


def _log16(s):
    i = plsc.bitcast(s, jnp.int32)
    e = ((i >> 23) - 127).astype(jnp.float32)
    m = plsc.bitcast((i & 0x7FFFFF) | 0x3F800000, jnp.float32)
    t = (m - 1.0) / (m + 1.0)
    t2 = t * t
    p = 2.0 * t * (1.0 + t2 * (1.0 / 3.0 + t2 * (1.0 / 5.0 + t2 * (1.0 / 7.0))))
    return e * _LN2 + p


@functools.cache
def _build_sc_call(bsz, seq, nb, nborders, npad):
    n_workers = 32
    tokens = bsz * seq
    tpw = tokens // n_workers
    nq = 4
    qs = tpw // nq
    mesh = plsc.VectorSubcoreMesh(core_axis_name="c", subcore_axis_name="s",
                                  num_cores=2, num_subcores=16)

    def body(logits_hbm, y_hbm, borders_hbm, out_hbm,
             buf0, buf1, yv, ov, bv, lwv, sem0, sem1):
        c = lax.axis_index("c")
        s_ = lax.axis_index("s")
        wid = s_ * 2 + c
        base = wid * tpw

        bufs = [buf0, buf1]
        sems = [sem0, sem1]

        def issue(q):
            buf, sem = bufs[q % 2], sems[q % 2]

            def one(j, carry):
                pltpu.async_copy(
                    logits_hbm.at[pl.ds(j * tokens + base + q * qs, qs)],
                    buf.at[pl.ds(j * qs, qs)], sem)
                return carry

            lax.fori_loop(0, nb, one, 0, unroll=4)

        def drain(q):
            pltpu.make_async_copy(logits_hbm.at[pl.ds(0, nb * qs)],
                                  bufs[q % 2], sems[q % 2]).wait()

        issue(0)
        pltpu.sync_copy(borders_hbm, bv)
        pltpu.sync_copy(y_hbm.at[pl.ds(base, tpw)], yv)
        issue(1)

        lane = lax.iota(jnp.int32, 16)

        def prep(k, carry):
            i0 = k * 16 + lane
            ia = jnp.minimum(i0, nborders - 1)
            ib = jnp.minimum(i0 + 1, nborders - 1)
            w = plsc.load_gather(bv, [ib]) - plsc.load_gather(bv, [ia])
            lwv[pl.ds(k * 16, 16)] = _log16(jnp.maximum(w, 1e-30))
            return carry

        lax.fori_loop(0, npad // 16, prep, 0)

        for q in range(nq):
            drain(q)
            buf = bufs[q % 2]

            def group(g, carry, buf=buf, ybase=q * qs):
                y16 = yv[pl.ds(ybase + g * 16, 16)]
                first = jnp.zeros((16,), jnp.int32)
                n = nborders
                while n > 1:
                    half = n // 2
                    probe = plsc.load_gather(bv, [first + (half - 1)])
                    first = jnp.where(probe < y16, first + half, first)
                    n -= half
                lastb = plsc.load_gather(bv, [first])
                cnt = first + jnp.where(lastb < y16, 1, 0)
                idx = jnp.clip(cnt - 1, 0, nb - 1)

                def p2(j, acc):
                    return acc + jnp.exp(buf[pl.ds(j * qs + g * 16, 16)])

                sm = lax.fori_loop(0, nb, p2, jnp.zeros((16,), jnp.float32),
                                   unroll=10)

                gv = plsc.load_gather(buf, [idx * qs + g * 16 + lane])
                lw = plsc.load_gather(lwv, [idx])
                ov[pl.ds(ybase + g * 16, 16)] = _log16(sm) - gv + lw
                return carry

            lax.fori_loop(0, qs // 16, group, 0)
            if q + 2 < nq:
                issue(q + 2)

        pltpu.sync_copy(ov, out_hbm.at[pl.ds(base, tpw)])

    return pl.kernel(
        body,
        out_type=jax.ShapeDtypeStruct((tokens,), jnp.float32),
        mesh=mesh,
        compiler_params=pltpu.CompilerParams(needs_layout_passes=False),
        scratch_types=[
            pltpu.VMEM((nb * qs,), jnp.float32),
            pltpu.VMEM((nb * qs,), jnp.float32),
            pltpu.VMEM((tpw,), jnp.float32),
            pltpu.VMEM((tpw,), jnp.float32),
            pltpu.VMEM((nborders,), jnp.float32),
            pltpu.VMEM((npad,), jnp.float32),
            pltpu.SemaphoreType.DMA,
            pltpu.SemaphoreType.DMA,
        ],
    )


@jax.jit
def kernel(logits, y, borders):
    bsz, seq, nb = logits.shape
    nborders = borders.shape[0]
    npad = -(-nborders // 16) * 16

    call = _build_sc_call(bsz, seq, nb, nborders, npad)
    nt = seq // 128
    lgf = (logits.reshape(bsz, nt, 128, nb)
           .transpose(3, 1, 0, 2).reshape(-1))
    yf = y.reshape(bsz, nt, 128).transpose(1, 0, 2).reshape(-1)
    out = call(lgf, yf, borders)
    return (out.reshape(nt, bsz, 128).transpose(1, 0, 2)
            .reshape(bsz, seq))

# --- scband reference (transcript-rebuilt; emitter-appended) ---
"""Pipeline reference for scband-bar-distribution-15650860826710 (READ-ONLY COPY).

The authoritative reference and input builder live on the scoring server;
editing this copy changes nothing except your own understanding.
"""

import jax, jax.numpy as jnp
import numpy as np


def setup_inputs(seed: int = 0) -> dict:
    key = jax.random.key(seed)
    k1, k2 = jax.random.split(key)
    logits = jax.random.normal(k1, (4, 8192, 100), dtype=jnp.float32)
    y = jax.random.uniform(k2, (4, 8192), dtype=jnp.float32)
    borders = jnp.linspace(0.0, 1.0, 101, dtype=jnp.float32)
    return {"logits": logits, "y": y, "borders": borders}


def _map_to_bucket_idx(y, borders, num_bars):
    # torch.searchsorted(borders, y) with right=False == jnp.searchsorted(..., side='left')
    idx = jnp.searchsorted(borders, y, side='left') - 1
    idx = jnp.where(y == borders[0], 0, idx)
    idx = jnp.where(y == borders[-1], num_bars - 1, idx)
    return idx


def reference(logits, y, borders):
    bucket_widths = borders[1:] - borders[:-1]
    num_bars = borders.shape[0] - 1
    target_sample = _map_to_bucket_idx(y, borders, num_bars)
    bucket_log_probs = jax.nn.log_softmax(logits, axis=-1)
    scaled_bucket_log_probs = bucket_log_probs - jnp.log(bucket_widths)
    nll = -jnp.take_along_axis(scaled_bucket_log_probs, target_sample[..., None], axis=-1)[..., 0]
    return nll

if __name__ == "__main__":
    import jax
    _d = setup_inputs()
    print(jax.jit(kernel)(*tuple(_d.values())))

</pallas_src>

<mosaic_0001>
#map = affine_map<(d0, d1) -> (0)>
module attributes {stable_mosaic.version = 14 : i64} {
  func.func @body(%arg0: i32, %arg1: i32, %arg2: memref<3276800xf32, #tpu.memory_space<hbm>>, %arg3: memref<32768xf32, #tpu.memory_space<hbm>>, %arg4: memref<101xf32, #tpu.memory_space<hbm>>, %arg5: memref<32768xf32, #tpu.memory_space<hbm>>, %arg6: memref<25600xf32, #tpu.memory_space<vmem>>, %arg7: memref<25600xf32, #tpu.memory_space<vmem>>, %arg8: memref<1024xf32, #tpu.memory_space<vmem>>, %arg9: memref<1024xf32, #tpu.memory_space<vmem>>, %arg10: memref<101xf32, #tpu.memory_space<vmem>>, %arg11: memref<112xf32, #tpu.memory_space<vmem>>, %arg12: memref<!tpu.dma_semaphore, #tpu.memory_space<semaphore_mem>>, %arg13: memref<!tpu.dma_semaphore, #tpu.memory_space<semaphore_mem>>) attributes {dimension_semantics = [#tpu.dimension_semantics<core_parallel>, #tpu.dimension_semantics<subcore_parallel>], iteration_bounds = array<i64: 2, 16>, scalar_prefetch = 0 : i64, scratch_operands = 8 : i64, tpu.core_type = #tpu.core_type<sc_vector_subcore>, window_params = [{transform_indices = #map}, {transform_indices = #map}, {transform_indices = #map}, {transform_indices = #map}]} {
    %mul3A = arith.constant 2 : i32
    %mul3A_0 = arith.muli %arg1, %mul3A : i32
    %add3A = arith.addi %mul3A_0, %arg0 : i32
    %mul3A_1 = arith.constant 1024 : i32
    %mul3A_2 = arith.muli %add3A, %mul3A_1 : i32
    %scan3A = arith.constant 0 : i32
    %scan3A_3 = arith.constant 0 : i32
    %scan3A_4 = arith.constant 100 : i32
    %scan3A_5 = arith.addi %scan3A_3, %scan3A_4 : i32
    %scan3A_6 = arith.constant 4 : i32
    scf.for %scan3A_71 = %scan3A_3 to %scan3A_5 step %scan3A_6  : i32 {
      %mul3A_72 = arith.constant 32768 : i32
      %mul3A_73 = arith.muli %scan3A_71, %mul3A_72 : i32
      %add3A_74 = arith.addi %mul3A_73, %mul3A_2 : i32
      %add3A_75 = arith.constant 0 : i32
      %add3A_76 = arith.addi %add3A_74, %add3A_75 : i32
      %mul3A_77 = arith.constant 256 : i32
      %mul3A_78 = arith.muli %scan3A_71, %mul3A_77 : i32
      %dma_start3A = tpu.memref_slice %arg6[%mul3A_78] : memref<25600xf32, #tpu.memory_space<vmem>> -> memref<256xf32, #tpu.memory_space<vmem>>
      %dma_start3A_79 = tpu.memref_slice %arg2[%add3A_76] : memref<3276800xf32, #tpu.memory_space<hbm>> -> memref<256xf32, #tpu.memory_space<hbm>>
      %dma_start3A_80 = tpu.memref_slice %arg6[%mul3A_78] : memref<25600xf32, #tpu.memory_space<vmem>> -> memref<256xf32, #tpu.memory_space<vmem>>
      %dma_start3A_81 = tpu.memref_slice %arg2[%add3A_76] : memref<3276800xf32, #tpu.memory_space<hbm>> -> memref<256xf32, #tpu.memory_space<hbm>>
      tpu.enqueue_dma source(%dma_start3A_81 : memref<256xf32, #tpu.memory_space<hbm>>) target(%dma_start3A_80 : memref<256xf32, #tpu.memory_space<vmem>>) target_semaphore(%arg12 : memref<!tpu.dma_semaphore, #tpu.memory_space<semaphore_mem>>)
      %scan3A_82 = arith.constant 1 : i32
      %scan3A_83 = arith.addi %scan3A_71, %scan3A_82 : i32
      %mul3A_84 = arith.constant 32768 : i32
      %mul3A_85 = arith.muli %scan3A_83, %mul3A_84 : i32
      %add3A_86 = arith.addi %mul3A_85, %mul3A_2 : i32
      %add3A_87 = arith.constant 0 : i32
      %add3A_88 = arith.addi %add3A_86, %add3A_87 : i32
      %mul3A_89 = arith.constant 256 : i32
      %mul3A_90 = arith.muli %scan3A_83, %mul3A_89 : i32
      %dma_start3A_91 = tpu.memref_slice %arg6[%mul3A_90] : memref<25600xf32, #tpu.memory_space<vmem>> -> memref<256xf32, #tpu.memory_space<vmem>>
      %dma_start3A_92 = tpu.memref_slice %arg2[%add3A_88] : memref<3276800xf32, #tpu.memory_space<hbm>> -> memref<256xf32, #tpu.memory_space<hbm>>
      %dma_start3A_93 = tpu.memref_slice %arg6[%mul3A_90] : memref<25600xf32, #tpu.memory_space<vmem>> -> memref<256xf32, #tpu.memory_space<vmem>>
      %dma_start3A_94 = tpu.memref_slice %arg2[%add3A_88] : memref<3276800xf32, #tpu.memory_space<hbm>> -> memref<256xf32, #tpu.memory_space<hbm>>
      tpu.enqueue_dma source(%dma_start3A_94 : memref<256xf32, #tpu.memory_space<hbm>>) target(%dma_start3A_93 : memref<256xf32, #tpu.memory_space<vmem>>) target_semaphore(%arg12 : memref<!tpu.dma_semaphore, #tpu.memory_space<semaphore_mem>>)
      %scan3A_95 = arith.constant 2 : i32
      %scan3A_96 = arith.addi %scan3A_71, %scan3A_95 : i32
      %mul3A_97 = arith.constant 32768 : i32
      %mul3A_98 = arith.muli %scan3A_96, %mul3A_97 : i32
      %add3A_99 = arith.addi %mul3A_98, %mul3A_2 : i32
      %add3A_100 = arith.constant 0 : i32
      %add3A_101 = arith.addi %add3A_99, %add3A_100 : i32
      %mul3A_102 = arith.constant 256 : i32
      %mul3A_103 = arith.muli %scan3A_96, %mul3A_102 : i32
      %dma_start3A_104 = tpu.memref_slice %arg6[%mul3A_103] : memref<25600xf32, #tpu.memory_space<vmem>> -> memref<256xf32, #tpu.memory_space<vmem>>
      %dma_start3A_105 = tpu.memref_slice %arg2[%add3A_101] : memref<3276800xf32, #tpu.memory_space<hbm>> -> memref<256xf32, #tpu.memory_space<hbm>>
      %dma_start3A_106 = tpu.memref_slice %arg6[%mul3A_103] : memref<25600xf32, #tpu.memory_space<vmem>> -> memref<256xf32, #tpu.memory_space<vmem>>
      %dma_start3A_107 = tpu.memref_slice %arg2[%add3A_101] : memref<3276800xf32, #tpu.memory_space<hbm>> -> memref<256xf32, #tpu.memory_space<hbm>>
      tpu.enqueue_dma source(%dma_start3A_107 : memref<256xf32, #tpu.memory_space<hbm>>) target(%dma_start3A_106 : memref<256xf32, #tpu.memory_space<vmem>>) target_semaphore(%arg12 : memref<!tpu.dma_semaphore, #tpu.memory_space<semaphore_mem>>)
      %scan3A_108 = arith.constant 3 : i32
      %scan3A_109 = arith.addi %scan3A_71, %scan3A_108 : i32
      %mul3A_110 = arith.constant 32768 : i32
      %mul3A_111 = arith.muli %scan3A_109, %mul3A_110 : i32
      %add3A_112 = arith.addi %mul3A_111, %mul3A_2 : i32
      %add3A_113 = arith.constant 0 : i32
      %add3A_114 = arith.addi %add3A_112, %add3A_113 : i32
      %mul3A_115 = arith.constant 256 : i32
      %mul3A_116 = arith.muli %scan3A_109, %mul3A_115 : i32
      %dma_start3A_117 = tpu.memref_slice %arg6[%mul3A_116] : memref<25600xf32, #tpu.memory_space<vmem>> -> memref<256xf32, #tpu.memory_space<vmem>>
      %dma_start3A_118 = tpu.memref_slice %arg2[%add3A_114] : memref<3276800xf32, #tpu.memory_space<hbm>> -> memref<256xf32, #tpu.memory_space<hbm>>
      %dma_start3A_119 = tpu.memref_slice %arg6[%mul3A_116] : memref<25600xf32, #tpu.memory_space<vmem>> -> memref<256xf32, #tpu.memory_space<vmem>>
      %dma_start3A_120 = tpu.memref_slice %arg2[%add3A_114] : memref<3276800xf32, #tpu.memory_space<hbm>> -> memref<256xf32, #tpu.memory_space<hbm>>
      tpu.enqueue_dma source(%dma_start3A_120 : memref<256xf32, #tpu.memory_space<hbm>>) target(%dma_start3A_119 : memref<256xf32, #tpu.memory_space<vmem>>) target_semaphore(%arg12 : memref<!tpu.dma_semaphore, #tpu.memory_space<semaphore_mem>>)
    }
    %scan3A_7 = arith.constant 100 : i32
    "tpu.region"() ({
      %run_scoped3A = tpu.sem_alloc : memref<!tpu.dma_semaphore, #tpu.memory_space<semaphore_mem>>
      tpu.enqueue_dma source(%arg4 : memref<101xf32, #tpu.memory_space<hbm>>) target(%arg10 : memref<101xf32, #tpu.memory_space<vmem>>) target_semaphore(%run_scoped3A : memref<!tpu.dma_semaphore, #tpu.memory_space<semaphore_mem>>)
      tpu.wait_dma2 semaphore(%run_scoped3A : memref<!tpu.dma_semaphore, #tpu.memory_space<semaphore_mem>>) src(%arg4 : memref<101xf32, #tpu.memory_space<hbm>>) dst(%arg10 : memref<101xf32, #tpu.memory_space<vmem>>)
      tpu.yield
    }) : () -> ()
    "tpu.region"() ({
      %run_scoped3A = tpu.sem_alloc : memref<!tpu.dma_semaphore, #tpu.memory_space<semaphore_mem>>
      %dma_start3A = tpu.memref_slice %arg3[%mul3A_2] : memref<32768xf32, #tpu.memory_space<hbm>> -> memref<1024xf32, #tpu.memory_space<hbm>>
      %dma_start3A_71 = tpu.memref_slice %arg3[%mul3A_2] : memref<32768xf32, #tpu.memory_space<hbm>> -> memref<1024xf32, #tpu.memory_space<hbm>>
      tpu.enqueue_dma source(%dma_start3A_71 : memref<1024xf32, #tpu.memory_space<hbm>>) target(%arg8 : memref<1024xf32, #tpu.memory_space<vmem>>) target_semaphore(%run_scoped3A : memref<!tpu.dma_semaphore, #tpu.memory_space<semaphore_mem>>)
      %dma_wait3A_72 = tpu.memref_slice %arg3[%mul3A_2] : memref<32768xf32, #tpu.memory_space<hbm>> -> memref<1024xf32, #tpu.memory_space<hbm>>
      %dma_wait3A_73 = tpu.memref_slice %arg3[%mul3A_2] : memref<32768xf32, #tpu.memory_space<hbm>> -> memref<1024xf32, #tpu.memory_space<hbm>>
      tpu.wait_dma2 semaphore(%run_scoped3A : memref<!tpu.dma_semaphore, #tpu.memory_space<semaphore_mem>>) src(%dma_wait3A_73 : memref<1024xf32, #tpu.memory_space<hbm>>) dst(%arg8 : memref<1024xf32, #tpu.memory_space<vmem>>)
      tpu.yield
    }) : () -> ()
    %scan3A_8 = arith.constant 0 : i32
    %scan3A_9 = arith.constant 0 : i32
    %scan3A_10 = arith.constant 100 : i32
    %scan3A_11 = arith.addi %scan3A_9, %scan3A_10 : i32
    %scan3A_12 = arith.constant 4 : i32
    scf.for %scan3A_71 = %scan3A_9 to %scan3A_11 step %scan3A_12  : i32 {
      %mul3A_72 = arith.constant 32768 : i32
      %mul3A_73 = arith.muli %scan3A_71, %mul3A_72 : i32
      %add3A_74 = arith.addi %mul3A_73, %mul3A_2 : i32
      %add3A_75 = arith.constant 256 : i32
      %add3A_76 = arith.addi %add3A_74, %add3A_75 : i32
      %mul3A_77 = arith.constant 256 : i32
      %mul3A_78 = arith.muli %scan3A_71, %mul3A_77 : i32
      %dma_start3A = tpu.memref_slice %arg7[%mul3A_78] : memref<25600xf32, #tpu.memory_space<vmem>> -> memref<256xf32, #tpu.memory_space<vmem>>
      %dma_start3A_79 = tpu.memref_slice %arg2[%add3A_76] : memref<3276800xf32, #tpu.memory_space<hbm>> -> memref<256xf32, #tpu.memory_space<hbm>>
      %dma_start3A_80 = tpu.memref_slice %arg7[%mul3A_78] : memref<25600xf32, #tpu.memory_space<vmem>> -> memref<256xf32, #tpu.memory_space<vmem>>
      %dma_start3A_81 = tpu.memref_slice %arg2[%add3A_76] : memref<3276800xf32, #tpu.memory_space<hbm>> -> memref<256xf32, #tpu.memory_space<hbm>>
      tpu.enqueue_dma source(%dma_start3A_81 : memref<256xf32, #tpu.memory_space<hbm>>) target(%dma_start3A_80 : memref<256xf32, #tpu.memory_space<vmem>>) target_semaphore(%arg13 : memref<!tpu.dma_semaphore, #tpu.memory_space<semaphore_mem>>)
      %scan3A_82 = arith.constant 1 : i32
      %scan3A_83 = arith.addi %scan3A_71, %scan3A_82 : i32
      %mul3A_84 = arith.constant 32768 : i32
      %mul3A_85 = arith.muli %scan3A_83, %mul3A_84 : i32
      %add3A_86 = arith.addi %mul3A_85, %mul3A_2 : i32
      %add3A_87 = arith.constant 256 : i32
      %add3A_88 = arith.addi %add3A_86, %add3A_87 : i32
      %mul3A_89 = arith.constant 256 : i32
      %mul3A_90 = arith.muli %scan3A_83, %mul3A_89 : i32
      %dma_start3A_91 = tpu.memref_slice %arg7[%mul3A_90] : memref<25600xf32, #tpu.memory_space<vmem>> -> memref<256xf32, #tpu.memory_space<vmem>>
      %dma_start3A_92 = tpu.memref_slice %arg2[%add3A_88] : memref<3276800xf32, #tpu.memory_space<hbm>> -> memref<256xf32, #tpu.memory_space<hbm>>
      %dma_start3A_93 = tpu.memref_slice %arg7[%mul3A_90] : memref<25600xf32, #tpu.memory_space<vmem>> -> memref<256xf32, #tpu.memory_space<vmem>>
      %dma_start3A_94 = tpu.memref_slice %arg2[%add3A_88] : memref<3276800xf32, #tpu.memory_space<hbm>> -> memref<256xf32, #tpu.memory_space<hbm>>
      tpu.enqueue_dma source(%dma_start3A_94 : memref<256xf32, #tpu.memory_space<hbm>>) target(%dma_start3A_93 : memref<256xf32, #tpu.memory_space<vmem>>) target_semaphore(%arg13 : memref<!tpu.dma_semaphore, #tpu.memory_space<semaphore_mem>>)
      %scan3A_95 = arith.constant 2 : i32
      %scan3A_96 = arith.addi %scan3A_71, %scan3A_95 : i32
      %mul3A_97 = arith.constant 32768 : i32
      %mul3A_98 = arith.muli %scan3A_96, %mul3A_97 : i32
      %add3A_99 = arith.addi %mul3A_98, %mul3A_2 : i32
      %add3A_100 = arith.constant 256 : i32
      %add3A_101 = arith.addi %add3A_99, %add3A_100 : i32
      %mul3A_102 = arith.constant 256 : i32
      %mul3A_103 = arith.muli %scan3A_96, %mul3A_102 : i32
      %dma_start3A_104 = tpu.memref_slice %arg7[%mul3A_103] : memref<25600xf32, #tpu.memory_space<vmem>> -> memref<256xf32, #tpu.memory_space<vmem>>
      %dma_start3A_105 = tpu.memref_slice %arg2[%add3A_101] : memref<3276800xf32, #tpu.memory_space<hbm>> -> memref<256xf32, #tpu.memory_space<hbm>>
      %dma_start3A_106 = tpu.memref_slice %arg7[%mul3A_103] : memref<25600xf32, #tpu.memory_space<vmem>> -> memref<256xf32, #tpu.memory_space<vmem>>
      %dma_start3A_107 = tpu.memref_slice %arg2[%add3A_101] : memref<3276800xf32, #tpu.memory_space<hbm>> -> memref<256xf32, #tpu.memory_space<hbm>>
      tpu.enqueue_dma source(%dma_start3A_107 : memref<256xf32, #tpu.memory_space<hbm>>) target(%dma_start3A_106 : memref<256xf32, #tpu.memory_space<vmem>>) target_semaphore(%arg13 : memref<!tpu.dma_semaphore, #tpu.memory_space<semaphore_mem>>)
      %scan3A_108 = arith.constant 3 : i32
      %scan3A_109 = arith.addi %scan3A_71, %scan3A_108 : i32
      %mul3A_110 = arith.constant 32768 : i32
      %mul3A_111 = arith.muli %scan3A_109, %mul3A_110 : i32
      %add3A_112 = arith.addi %mul3A_111, %mul3A_2 : i32
      %add3A_113 = arith.constant 256 : i32
      %add3A_114 = arith.addi %add3A_112, %add3A_113 : i32
      %mul3A_115 = arith.constant 256 : i32
      %mul3A_116 = arith.muli %scan3A_109, %mul3A_115 : i32
      %dma_start3A_117 = tpu.memref_slice %arg7[%mul3A_116] : memref<25600xf32, #tpu.memory_space<vmem>> -> memref<256xf32, #tpu.memory_space<vmem>>
      %dma_start3A_118 = tpu.memref_slice %arg2[%add3A_114] : memref<3276800xf32, #tpu.memory_space<hbm>> -> memref<256xf32, #tpu.memory_space<hbm>>
      %dma_start3A_119 = tpu.memref_slice %arg7[%mul3A_116] : memref<25600xf32, #tpu.memory_space<vmem>> -> memref<256xf32, #tpu.memory_space<vmem>>
      %dma_start3A_120 = tpu.memref_slice %arg2[%add3A_114] : memref<3276800xf32, #tpu.memory_space<hbm>> -> memref<256xf32, #tpu.memory_space<hbm>>
      tpu.enqueue_dma source(%dma_start3A_120 : memref<256xf32, #tpu.memory_space<hbm>>) target(%dma_start3A_119 : memref<256xf32, #tpu.memory_space<vmem>>) target_semaphore(%arg13 : memref<!tpu.dma_semaphore, #tpu.memory_space<semaphore_mem>>)
    }
    %scan3A_13 = arith.constant 100 : i32
    %iota3A = tpu.iota {dimensions = array<i32: 0>} : vector<16xi32>
    %scan3A_14 = arith.constant 0 : i32
    %scan3A_15 = arith.constant 0 : i32
    %scan3A_16 = arith.constant 7 : i32
    %scan3A_17 = arith.addi %scan3A_15, %scan3A_16 : i32
    %scan3A_18 = arith.constant 1 : i32
    scf.for %scan3A_71 = %scan3A_15 to %scan3A_17 step %scan3A_18  : i32 {
      %mul3A_72 = arith.constant 16 : i32
      %mul3A_73 = arith.muli %scan3A_71, %mul3A_72 : i32
      %add3A_74 = vector.broadcast %mul3A_73 : i32 to vector<16xi32>
      %add3A_75 = arith.addi %add3A_74, %iota3A : vector<16xi32>
      %min3A = arith.constant 100 : i32
      %min3A_76 = vector.broadcast %min3A : i32 to vector<16xi32>
      %min3A_77 = arith.minsi %add3A_75, %min3A_76 : vector<16xi32>
      %add3A_78 = arith.constant 1 : i32
      %add3A_79 = vector.broadcast %add3A_78 : i32 to vector<16xi32>
      %add3A_80 = arith.addi %add3A_75, %add3A_79 : vector<16xi32>
      %min3A_81 = arith.constant 100 : i32
      %min3A_82 = vector.broadcast %min3A_81 : i32 to vector<16xi32>
      %min3A_83 = arith.minsi %add3A_80, %min3A_82 : vector<16xi32>
      %gather3A = tpu.vector_load_idx %arg10[%min3A_83] : memref<101xf32, #tpu.memory_space<vmem>>[vector<16xi32>], vector<16xf32>,
      %gather3A_84 = tpu.vector_load_idx %arg10[%min3A_77] : memref<101xf32, #tpu.memory_space<vmem>>[vector<16xi32>], vector<16xf32>,
      %sub3A = arith.subf %gather3A, %gather3A_84 : vector<16xf32>
      %max3A = arith.constant 1.000000e-30 : f32
      %max3A_85 = vector.broadcast %max3A : f32 to vector<16xf32>
      %max3A_86 = arith.maximumf %sub3A, %max3A_85 : vector<16xf32>
      %bitcast3A = vector.bitcast %max3A_86 : vector<16xf32> to vector<16xi32>
      %shift_right_arithmetic3A = arith.constant 23 : i32
      %shift_right_arithmetic3A_87 = vector.broadcast %shift_right_arithmetic3A : i32 to vector<16xi32>
      %shift_right_arithmetic3A_88 = arith.shrsi %bitcast3A, %shift_right_arithmetic3A_87 : vector<16xi32>
      %sub3A_89 = arith.constant 127 : i32
      %sub3A_90 = vector.broadcast %sub3A_89 : i32 to vector<16xi32>
      %sub3A_91 = arith.subi %shift_right_arithmetic3A_88, %sub3A_90 : vector<16xi32>
      %convert_element_type3A = arith.sitofp %sub3A_91 : vector<16xi32> to vector<16xf32>
      %and3A = arith.constant 8388607 : i32
      %and3A_92 = vector.broadcast %and3A : i32 to vector<16xi32>
      %and3A_93 = arith.andi %bitcast3A, %and3A_92 : vector<16xi32>
      %or3A = arith.constant 1065353216 : i32
      %or3A_94 = vector.broadcast %or3A : i32 to vector<16xi32>
      %or3A_95 = arith.ori %and3A_93, %or3A_94 : vector<16xi32>
      %bitcast3A_96 = vector.bitcast %or3A_95 : vector<16xi32> to vector<16xf32>
      %sub3A_97 = arith.constant 1.000000e+00 : f32
      %sub3A_98 = vector.broadcast %sub3A_97 : f32 to vector<16xf32>
      %sub3A_99 = arith.subf %bitcast3A_96, %sub3A_98 : vector<16xf32>
      %add3A_100 = arith.constant 1.000000e+00 : f32
      %add3A_101 = vector.broadcast %add3A_100 : f32 to vector<16xf32>
      %add3A_102 = arith.addf %bitcast3A_96, %add3A_101 : vector<16xf32>
      %div3A = arith.divf %sub3A_99, %add3A_102 : vector<16xf32>
      %mul3A_103 = arith.mulf %div3A, %div3A : vector<16xf32>
      %mul3A_104 = arith.constant 2.000000e+00 : f32
      %mul3A_105 = vector.broadcast %mul3A_104 : f32 to vector<16xf32>
      %mul3A_106 = arith.mulf %mul3A_105, %div3A : vector<16xf32>
      %mul3A_107 = arith.constant 0.142857149 : f32
      %mul3A_108 = vector.broadcast %mul3A_107 : f32 to vector<16xf32>
      %mul3A_109 = arith.mulf %mul3A_103, %mul3A_108 : vector<16xf32>
      %add3A_110 = arith.constant 2.000000e-01 : f32
      %add3A_111 = vector.broadcast %add3A_110 : f32 to vector<16xf32>
      %add3A_112 = arith.addf %add3A_111, %mul3A_109 : vector<16xf32>
      %mul3A_113 = arith.mulf %mul3A_103, %add3A_112 : vector<16xf32>
      %add3A_114 = arith.constant 0.333333343 : f32
      %add3A_115 = vector.broadcast %add3A_114 : f32 to vector<16xf32>
      %add3A_116 = arith.addf %add3A_115, %mul3A_113 : vector<16xf32>
      %mul3A_117 = arith.mulf %mul3A_103, %add3A_116 : vector<16xf32>
      %add3A_118 = arith.constant 1.000000e+00 : f32
      %add3A_119 = vector.broadcast %add3A_118 : f32 to vector<16xf32>
      %add3A_120 = arith.addf %add3A_119, %mul3A_117 : vector<16xf32>
      %mul3A_121 = arith.mulf %mul3A_106, %add3A_120 : vector<16xf32>
      %mul3A_122 = arith.constant 0.693147182 : f32
      %mul3A_123 = vector.broadcast %mul3A_122 : f32 to vector<16xf32>
      %mul3A_124 = arith.mulf %convert_element_type3A, %mul3A_123 : vector<16xf32>
      %add3A_125 = arith.addf %mul3A_124, %mul3A_121 : vector<16xf32>
      %mul3A_126 = arith.constant 16 : i32
      %mul3A_127 = arith.muli %scan3A_71, %mul3A_126 : i32
      %swap3A = arith.index_cast %mul3A_127 : i32 to index
      %swap3A_128 = tpu.vector_load %arg11[%swap3A] {strides = array<i32>} : memref<112xf32, #tpu.memory_space<vmem>>, vector<16xf32>,
      tpu.vector_store %arg11[%swap3A], %add3A_125 {strides = array<i32>} : memref<112xf32, #tpu.memory_space<vmem>>, vector<16xf32>,
    }
    %scan3A_19 = arith.constant 7 : i32
    %dma_wait3A = arith.constant 0 : i32
    %dma_wait3A_20 = tpu.memref_slice %arg2[%dma_wait3A] : memref<3276800xf32, #tpu.memory_space<hbm>> -> memref<25600xf32, #tpu.memory_space<hbm>>
    %dma_wait3A_21 = arith.constant 0 : i32
    %dma_wait3A_22 = tpu.memref_slice %arg2[%dma_wait3A_21] : memref<3276800xf32, #tpu.memory_space<hbm>> -> memref<25600xf32, #tpu.memory_space<hbm>>
    tpu.wait_dma2 semaphore(%arg12 : memref<!tpu.dma_semaphore, #tpu.memory_space<semaphore_mem>>) src(%dma_wait3A_22 : memref<25600xf32, #tpu.memory_space<hbm>>) dst(%arg6 : memref<25600xf32, #tpu.memory_space<vmem>>)
    %scan3A_23 = arith.constant 0 : i32
    %scan3A_24 = arith.constant 0 : i32
    %scan3A_25 = arith.constant 16 : i32
    %scan3A_26 = arith.addi %scan3A_24, %scan3A_25 : i32
    %scan3A_27 = arith.constant 1 : i32
    scf.for %scan3A_71 = %scan3A_24 to %scan3A_26 step %scan3A_27  : i32 {
      %mul3A_72 = arith.constant 16 : i32
      %mul3A_73 = arith.muli %scan3A_71, %mul3A_72 : i32
      %add3A_74 = arith.constant 0 : i32
      %add3A_75 = arith.addi %add3A_74, %mul3A_73 : i32
      %get3A = arith.index_cast %add3A_75 : i32 to index
      %get3A_76 = tpu.vector_load %arg8[%get3A] {strides = array<i32>} : memref<1024xf32, #tpu.memory_space<vmem>>, vector<16xf32>,
      %broadcast_in_dim3A = arith.constant 0 : i32
      %broadcast_in_dim3A_77 = vector.broadcast %broadcast_in_dim3A : i32 to vector<16xi32>
      %add3A_78 = arith.constant 49 : i32
      %add3A_79 = vector.broadcast %add3A_78 : i32 to vector<16xi32>
      %add3A_80 = arith.addi %broadcast_in_dim3A_77, %add3A_79 : vector<16xi32>
      %gather3A = tpu.vector_load_idx %arg10[%add3A_80] : memref<101xf32, #tpu.memory_space<vmem>>[vector<16xi32>], vector<16xf32>,
      %lt3A = arith.cmpf olt, %gather3A, %get3A_76 : vector<16xf32>
      %add3A_81 = arith.constant 50 : i32
      %add3A_82 = vector.broadcast %add3A_81 : i32 to vector<16xi32>
      %add3A_83 = arith.addi %broadcast_in_dim3A_77, %add3A_82 : vector<16xi32>
      %select_n3A = arith.select %lt3A, %add3A_83, %broadcast_in_dim3A_77 : vector<16xi1>, vector<16xi32>
      %add3A_84 = arith.constant 24 : i32
      %add3A_85 = vector.broadcast %add3A_84 : i32 to vector<16xi32>
      %add3A_86 = arith.addi %select_n3A, %add3A_85 : vector<16xi32>
      %gather3A_87 = tpu.vector_load_idx %arg10[%add3A_86] : memref<101xf32, #tpu.memory_space<vmem>>[vector<16xi32>], vector<16xf32>,
      %lt3A_88 = arith.cmpf olt, %gather3A_87, %get3A_76 : vector<16xf32>
      %add3A_89 = arith.constant 25 : i32
      %add3A_90 = vector.broadcast %add3A_89 : i32 to vector<16xi32>
      %add3A_91 = arith.addi %select_n3A, %add3A_90 : vector<16xi32>
      %select_n3A_92 = arith.select %lt3A_88, %add3A_91, %select_n3A : vector<16xi1>, vector<16xi32>
      %add3A_93 = arith.constant 12 : i32
      %add3A_94 = vector.broadcast %add3A_93 : i32 to vector<16xi32>
      %add3A_95 = arith.addi %select_n3A_92, %add3A_94 : vector<16xi32>
      %gather3A_96 = tpu.vector_load_idx %arg10[%add3A_95] : memref<101xf32, #tpu.memory_space<vmem>>[vector<16xi32>], vector<16xf32>,
      %lt3A_97 = arith.cmpf olt, %gather3A_96, %get3A_76 : vector<16xf32>
      %add3A_98 = arith.constant 13 : i32
      %add3A_99 = vector.broadcast %add3A_98 : i32 to vector<16xi32>
      %add3A_100 = arith.addi %select_n3A_92, %add3A_99 : vector<16xi32>
      %select_n3A_101 = arith.select %lt3A_97, %add3A_100, %select_n3A_92 : vector<16xi1>, vector<16xi32>
      %add3A_102 = arith.constant 5 : i32
      %add3A_103 = vector.broadcast %add3A_102 : i32 to vector<16xi32>
      %add3A_104 = arith.addi %select_n3A_101, %add3A_103 : vector<16xi32>
      %gather3A_105 = tpu.vector_load_idx %arg10[%add3A_104] : memref<101xf32, #tpu.memory_space<vmem>>[vector<16xi32>], vector<16xf32>,
      %lt3A_106 = arith.cmpf olt, %gather3A_105, %get3A_76 : vector<16xf32>
      %add3A_107 = arith.constant 6 : i32
      %add3A_108 = vector.broadcast %add3A_107 : i32 to vector<16xi32>
      %add3A_109 = arith.addi %select_n3A_101, %add3A_108 : vector<16xi32>
      %select_n3A_110 = arith.select %lt3A_106, %add3A_109, %select_n3A_101 : vector<16xi1>, vector<16xi32>
      %add3A_111 = arith.constant 2 : i32
      %add3A_112 = vector.broadcast %add3A_111 : i32 to vector<16xi32>
      %add3A_113 = arith.addi %select_n3A_110, %add3A_112 : vector<16xi32>
      %gather3A_114 = tpu.vector_load_idx %arg10[%add3A_113] : memref<101xf32, #tpu.memory_space<vmem>>[vector<16xi32>], vector<16xf32>,
      %lt3A_115 = arith.cmpf olt, %gather3A_114, %get3A_76 : vector<16xf32>
      %add3A_116 = arith.constant 3 : i32
      %add3A_117 = vector.broadcast %add3A_116 : i32 to vector<16xi32>
      %add3A_118 = arith.addi %select_n3A_110, %add3A_117 : vector<16xi32>
      %select_n3A_119 = arith.select %lt3A_115, %add3A_118, %select_n3A_110 : vector<16xi1>, vector<16xi32>
      %add3A_120 = arith.constant 1 : i32
      %add3A_121 = vector.broadcast %add3A_120 : i32 to vector<16xi32>
      %add3A_122 = arith.addi %select_n3A_119, %add3A_121 : vector<16xi32>
      %gather3A_123 = tpu.vector_load_idx %arg10[%add3A_122] : memref<101xf32, #tpu.memory_space<vmem>>[vector<16xi32>], vector<16xf32>,
      %lt3A_124 = arith.cmpf olt, %gather3A_123, %get3A_76 : vector<16xf32>
      %add3A_125 = arith.constant 2 : i32
      %add3A_126 = vector.broadcast %add3A_125 : i32 to vector<16xi32>
      %add3A_127 = arith.addi %select_n3A_119, %add3A_126 : vector<16xi32>
      %select_n3A_128 = arith.select %lt3A_124, %add3A_127, %select_n3A_119 : vector<16xi1>, vector<16xi32>
      %add3A_129 = arith.constant 0 : i32
      %add3A_130 = vector.broadcast %add3A_129 : i32 to vector<16xi32>
      %add3A_131 = arith.addi %select_n3A_128, %add3A_130 : vector<16xi32>
      %gather3A_132 = tpu.vector_load_idx %arg10[%add3A_131] : memref<101xf32, #tpu.memory_space<vmem>>[vector<16xi32>], vector<16xf32>,
      %lt3A_133 = arith.cmpf olt, %gather3A_132, %get3A_76 : vector<16xf32>
      %add3A_134 = arith.constant 1 : i32
      %add3A_135 = vector.broadcast %add3A_134 : i32 to vector<16xi32>
      %add3A_136 = arith.addi %select_n3A_128, %add3A_135 : vector<16xi32>
      %select_n3A_137 = arith.select %lt3A_133, %add3A_136, %select_n3A_128 : vector<16xi1>, vector<16xi32>
      %gather3A_138 = tpu.vector_load_idx %arg10[%select_n3A_137] : memref<101xf32, #tpu.memory_space<vmem>>[vector<16xi32>], vector<16xf32>,
      %lt3A_139 = arith.cmpf olt, %gather3A_138, %get3A_76 : vector<16xf32>
      %jit3A = arith.constant 1 : i32
      %jit3A_140 = arith.constant 0 : i32
      %broadcast_in_dim3A_141 = vector.broadcast %jit3A : i32 to vector<16xi32>
      %broadcast_in_dim3A_142 = vector.broadcast %jit3A_140 : i32 to vector<16xi32>
      %select_n3A_143 = arith.select %lt3A_139, %broadcast_in_dim3A_141, %broadcast_in_dim3A_142 : vector<16xi1>, vector<16xi32>
      %add3A_144 = arith.addi %select_n3A_137, %select_n3A_143 : vector<16xi32>
      %sub3A = arith.constant 1 : i32
      %sub3A_145 = vector.broadcast %sub3A : i32 to vector<16xi32>
      %sub3A_146 = arith.subi %add3A_144, %sub3A_145 : vector<16xi32>
      %jit3A_147 = arith.constant 0 : i32
      %jit3A_148 = arith.constant 99 : i32
      %max3A = vector.broadcast %jit3A_147 : i32 to vector<16xi32>
      %max3A_149 = arith.maxsi %max3A, %sub3A_146 : vector<16xi32>
      %min3A = vector.broadcast %jit3A_148 : i32 to vector<16xi32>
      %min3A_150 = arith.minsi %min3A, %max3A_149 : vector<16xi32>
      %broadcast_in_dim3A_151 = arith.constant 0.000000e+00 : f32
      %broadcast_in_dim3A_152 = vector.broadcast %broadcast_in_dim3A_151 : f32 to vector<16xf32>
      %scan3A_153 = arith.constant 0 : i32
      %scan3A_154 = arith.constant 100 : i32
      %scan3A_155 = arith.addi %scan3A_153, %scan3A_154 : i32
      %scan3A_156 = arith.constant 10 : i32
      %scan3A_157 = scf.for %scan3A_215 = %scan3A_153 to %scan3A_155 step %scan3A_156 iter_args(%scan3A_216 = %broadcast_in_dim3A_152) -> (vector<16xf32>)  : i32 {
        %mul3A_217 = arith.constant 256 : i32
        %mul3A_218 = arith.muli %scan3A_215, %mul3A_217 : i32
        %mul3A_219 = arith.constant 16 : i32
        %mul3A_220 = arith.muli %scan3A_71, %mul3A_219 : i32
        %add3A_221 = arith.addi %mul3A_218, %mul3A_220 : i32
        %get3A_222 = arith.index_cast %add3A_221 : i32 to index
        %get3A_223 = tpu.vector_load %arg6[%get3A_222] {strides = array<i32>} : memref<25600xf32, #tpu.memory_space<vmem>>, vector<16xf32>,
        %exp3A = math.exp %get3A_223 : vector<16xf32>
        %add3A_224 = arith.addf %scan3A_216, %exp3A : vector<16xf32>
        %scan3A_225 = arith.constant 1 : i32
        %scan3A_226 = arith.addi %scan3A_215, %scan3A_225 : i32
        %mul3A_227 = arith.constant 256 : i32
        %mul3A_228 = arith.muli %scan3A_226, %mul3A_227 : i32
        %mul3A_229 = arith.constant 16 : i32
        %mul3A_230 = arith.muli %scan3A_71, %mul3A_229 : i32
        %add3A_231 = arith.addi %mul3A_228, %mul3A_230 : i32
        %get3A_232 = arith.index_cast %add3A_231 : i32 to index
        %get3A_233 = tpu.vector_load %arg6[%get3A_232] {strides = array<i32>} : memref<25600xf32, #tpu.memory_space<vmem>>, vector<16xf32>,
        %exp3A_234 = math.exp %get3A_233 : vector<16xf32>
        %add3A_235 = arith.addf %add3A_224, %exp3A_234 : vector<16xf32>
        %scan3A_236 = arith.constant 2 : i32
        %scan3A_237 = arith.addi %scan3A_215, %scan3A_236 : i32
        %mul3A_238 = arith.constant 256 : i32
        %mul3A_239 = arith.muli %scan3A_237, %mul3A_238 : i32
        %mul3A_240 = arith.constant 16 : i32
        %mul3A_241 = arith.muli %scan3A_71, %mul3A_240 : i32
        %add3A_242 = arith.addi %mul3A_239, %mul3A_241 : i32
        %get3A_243 = arith.index_cast %add3A_242 : i32 to index
        %get3A_244 = tpu.vector_load %arg6[%get3A_243] {strides = array<i32>} : memref<25600xf32, #tpu.memory_space<vmem>>, vector<16xf32>,
        %exp3A_245 = math.exp %get3A_244 : vector<16xf32>
        %add3A_246 = arith.addf %add3A_235, %exp3A_245 : vector<16xf32>
        %scan3A_247 = arith.constant 3 : i32
        %scan3A_248 = arith.addi %scan3A_215, %scan3A_247 : i32
        %mul3A_249 = arith.constant 256 : i32
        %mul3A_250 = arith.muli %scan3A_248, %mul3A_249 : i32
        %mul3A_251 = arith.constant 16 : i32
        %mul3A_252 = arith.muli %scan3A_71, %mul3A_251 : i32
        %add3A_253 = arith.addi %mul3A_250, %mul3A_252 : i32
        %get3A_254 = arith.index_cast %add3A_253 : i32 to index
        %get3A_255 = tpu.vector_load %arg6[%get3A_254] {strides = array<i32>} : memref<25600xf32, #tpu.memory_space<vmem>>, vector<16xf32>,
        %exp3A_256 = math.exp %get3A_255 : vector<16xf32>
        %add3A_257 = arith.addf %add3A_246, %exp3A_256 : vector<16xf32>
        %scan3A_258 = arith.constant 4 : i32
        %scan3A_259 = arith.addi %scan3A_215, %scan3A_258 : i32
        %mul3A_260 = arith.constant 256 : i32
        %mul3A_261 = arith.muli %scan3A_259, %mul3A_260 : i32
        %mul3A_262 = arith.constant 16 : i32
        %mul3A_263 = arith.muli %scan3A_71, %mul3A_262 : i32
        %add3A_264 = arith.addi %mul3A_261, %mul3A_263 : i32
        %get3A_265 = arith.index_cast %add3A_264 : i32 to index
        %get3A_266 = tpu.vector_load %arg6[%get3A_265] {strides = array<i32>} : memref<25600xf32, #tpu.memory_space<vmem>>, vector<16xf32>,
        %exp3A_267 = math.exp %get3A_266 : vector<16xf32>
        %add3A_268 = arith.addf %add3A_257, %exp3A_267 : vector<16xf32>
        %scan3A_269 = arith.constant 5 : i32
        %scan3A_270 = arith.addi %scan3A_215, %scan3A_269 : i32
        %mul3A_271 = arith.constant 256 : i32
        %mul3A_272 = arith.muli %scan3A_270, %mul3A_271 : i32
        %mul3A_273 = arith.constant 16 : i32
        %mul3A_274 = arith.muli %scan3A_71, %mul3A_273 : i32
        %add3A_275 = arith.addi %mul3A_272, %mul3A_274 : i32
        %get3A_276 = arith.index_cast %add3A_275 : i32 to index
        %get3A_277 = tpu.vector_load %arg6[%get3A_276] {strides = array<i32>} : memref<25600xf32, #tpu.memory_space<vmem>>, vector<16xf32>,
        %exp3A_278 = math.exp %get3A_277 : vector<16xf32>
        %add3A_279 = arith.addf %add3A_268, %exp3A_278 : vector<16xf32>
        %scan3A_280 = arith.constant 6 : i32
        %scan3A_281 = arith.addi %scan3A_215, %scan3A_280 : i32
        %mul3A_282 = arith.constant 256 : i32
        %mul3A_283 = arith.muli %scan3A_281, %mul3A_282 : i32
        %mul3A_284 = arith.constant 16 : i32
        %mul3A_285 = arith.muli %scan3A_71, %mul3A_284 : i32
        %add3A_286 = arith.addi %mul3A_283, %mul3A_285 : i32
        %get3A_287 = arith.index_cast %add3A_286 : i32 to index
        %get3A_288 = tpu.vector_load %arg6[%get3A_287] {strides = array<i32>} : memref<25600xf32, #tpu.memory_space<vmem>>, vector<16xf32>,
        %exp3A_289 = math.exp %get3A_288 : vector<16xf32>
        %add3A_290 = arith.addf %add3A_279, %exp3A_289 : vector<16xf32>
        %scan3A_291 = arith.constant 7 : i32
        %scan3A_292 = arith.addi %scan3A_215, %scan3A_291 : i32
        %mul3A_293 = arith.constant 256 : i32
        %mul3A_294 = arith.muli %scan3A_292, %mul3A_293 : i32
        %mul3A_295 = arith.constant 16 : i32
        %mul3A_296 = arith.muli %scan3A_71, %mul3A_295 : i32
        %add3A_297 = arith.addi %mul3A_294, %mul3A_296 : i32
        %get3A_298 = arith.index_cast %add3A_297 : i32 to index
        %get3A_299 = tpu.vector_load %arg6[%get3A_298] {strides = array<i32>} : memref<25600xf32, #tpu.memory_space<vmem>>, vector<16xf32>,
        %exp3A_300 = math.exp %get3A_299 : vector<16xf32>
        %add3A_301 = arith.addf %add3A_290, %exp3A_300 : vector<16xf32>
        %scan3A_302 = arith.constant 8 : i32
        %scan3A_303 = arith.addi %scan3A_215, %scan3A_302 : i32
        %mul3A_304 = arith.constant 256 : i32
        %mul3A_305 = arith.muli %scan3A_303, %mul3A_304 : i32
        %mul3A_306 = arith.constant 16 : i32
        %mul3A_307 = arith.muli %scan3A_71, %mul3A_306 : i32
        %add3A_308 = arith.addi %mul3A_305, %mul3A_307 : i32
        %get3A_309 = arith.index_cast %add3A_308 : i32 to index
        %get3A_310 = tpu.vector_load %arg6[%get3A_309] {strides = array<i32>} : memref<25600xf32, #tpu.memory_space<vmem>>, vector<16xf32>,
        %exp3A_311 = math.exp %get3A_310 : vector<16xf32>
        %add3A_312 = arith.addf %add3A_301, %exp3A_311 : vector<16xf32>
        %scan3A_313 = arith.constant 9 : i32
        %scan3A_314 = arith.addi %scan3A_215, %scan3A_313 : i32
        %mul3A_315 = arith.constant 256 : i32
        %mul3A_316 = arith.muli %scan3A_314, %mul3A_315 : i32
        %mul3A_317 = arith.constant 16 : i32
        %mul3A_318 = arith.muli %scan3A_71, %mul3A_317 : i32
        %add3A_319 = arith.addi %mul3A_316, %mul3A_318 : i32
        %get3A_320 = arith.index_cast %add3A_319 : i32 to index
        %get3A_321 = tpu.vector_load %arg6[%get3A_320] {strides = array<i32>} : memref<25600xf32, #tpu.memory_space<vmem>>, vector<16xf32>,
        %exp3A_322 = math.exp %get3A_321 : vector<16xf32>
        %add3A_323 = arith.addf %add3A_312, %exp3A_322 : vector<16xf32>
        scf.yield %add3A_323 : vector<16xf32>
      }
      %scan3A_158 = arith.constant 100 : i32
      %mul3A_159 = arith.constant 256 : i32
      %mul3A_160 = vector.broadcast %mul3A_159 : i32 to vector<16xi32>
      %mul3A_161 = arith.muli %min3A_150, %mul3A_160 : vector<16xi32>
      %mul3A_162 = arith.constant 16 : i32
      %mul3A_163 = arith.muli %scan3A_71, %mul3A_162 : i32
      %add3A_164 = vector.broadcast %mul3A_163 : i32 to vector<16xi32>
      %add3A_165 = arith.addi %mul3A_161, %add3A_164 : vector<16xi32>
      %add3A_166 = arith.addi %add3A_165, %iota3A : vector<16xi32>
      %gather3A_167 = tpu.vector_load_idx %arg6[%add3A_166] : memref<25600xf32, #tpu.memory_space<vmem>>[vector<16xi32>], vector<16xf32>,
      %gather3A_168 = tpu.vector_load_idx %arg11[%min3A_150] : memref<112xf32, #tpu.memory_space<vmem>>[vector<16xi32>], vector<16xf32>,
      %bitcast3A = vector.bitcast %scan3A_157 : vector<16xf32> to vector<16xi32>
      %shift_right_arithmetic3A = arith.constant 23 : i32
      %shift_right_arithmetic3A_169 = vector.broadcast %shift_right_arithmetic3A : i32 to vector<16xi32>
      %shift_right_arithmetic3A_170 = arith.shrsi %bitcast3A, %shift_right_arithmetic3A_169 : vector<16xi32>
      %sub3A_171 = arith.constant 127 : i32
      %sub3A_172 = vector.broadcast %sub3A_171 : i32 to vector<16xi32>
      %sub3A_173 = arith.subi %shift_right_arithmetic3A_170, %sub3A_172 : vector<16xi32>
      %convert_element_type3A = arith.sitofp %sub3A_173 : vector<16xi32> to vector<16xf32>
      %and3A = arith.constant 8388607 : i32
      %and3A_174 = vector.broadcast %and3A : i32 to vector<16xi32>
      %and3A_175 = arith.andi %bitcast3A, %and3A_174 : vector<16xi32>
      %or3A = arith.constant 1065353216 : i32
      %or3A_176 = vector.broadcast %or3A : i32 to vector<16xi32>
      %or3A_177 = arith.ori %and3A_175, %or3A_176 : vector<16xi32>
      %bitcast3A_178 = vector.bitcast %or3A_177 : vector<16xi32> to vector<16xf32>
      %sub3A_179 = arith.constant 1.000000e+00 : f32
      %sub3A_180 = vector.broadcast %sub3A_179 : f32 to vector<16xf32>
      %sub3A_181 = arith.subf %bitcast3A_178, %sub3A_180 : vector<16xf32>
      %add3A_182 = arith.constant 1.000000e+00 : f32
      %add3A_183 = vector.broadcast %add3A_182 : f32 to vector<16xf32>
      %add3A_184 = arith.addf %bitcast3A_178, %add3A_183 : vector<16xf32>
      %div3A = arith.divf %sub3A_181, %add3A_184 : vector<16xf32>
      %mul3A_185 = arith.mulf %div3A, %div3A : vector<16xf32>
      %mul3A_186 = arith.constant 2.000000e+00 : f32
      %mul3A_187 = vector.broadcast %mul3A_186 : f32 to vector<16xf32>
      %mul3A_188 = arith.mulf %mul3A_187, %div3A : vector<16xf32>
      %mul3A_189 = arith.constant 0.142857149 : f32
      %mul3A_190 = vector.broadcast %mul3A_189 : f32 to vector<16xf32>
      %mul3A_191 = arith.mulf %mul3A_185, %mul3A_190 : vector<16xf32>
      %add3A_192 = arith.constant 2.000000e-01 : f32
      %add3A_193 = vector.broadcast %add3A_192 : f32 to vector<16xf32>
      %add3A_194 = arith.addf %add3A_193, %mul3A_191 : vector<16xf32>
      %mul3A_195 = arith.mulf %mul3A_185, %add3A_194 : vector<16xf32>
      %add3A_196 = arith.constant 0.333333343 : f32
      %add3A_197 = vector.broadcast %add3A_196 : f32 to vector<16xf32>
      %add3A_198 = arith.addf %add3A_197, %mul3A_195 : vector<16xf32>
      %mul3A_199 = arith.mulf %mul3A_185, %add3A_198 : vector<16xf32>
      %add3A_200 = arith.constant 1.000000e+00 : f32
      %add3A_201 = vector.broadcast %add3A_200 : f32 to vector<16xf32>
      %add3A_202 = arith.addf %add3A_201, %mul3A_199 : vector<16xf32>
      %mul3A_203 = arith.mulf %mul3A_188, %add3A_202 : vector<16xf32>
      %mul3A_204 = arith.constant 0.693147182 : f32
      %mul3A_205 = vector.broadcast %mul3A_204 : f32 to vector<16xf32>
      %mul3A_206 = arith.mulf %convert_element_type3A, %mul3A_205 : vector<16xf32>
      %add3A_207 = arith.addf %mul3A_206, %mul3A_203 : vector<16xf32>
      %sub3A_208 = arith.subf %add3A_207, %gather3A_167 : vector<16xf32>
      %add3A_209 = arith.addf %sub3A_208, %gather3A_168 : vector<16xf32>
      %mul3A_210 = arith.constant 16 : i32
      %mul3A_211 = arith.muli %scan3A_71, %mul3A_210 : i32
      %add3A_212 = arith.constant 0 : i32
      %add3A_213 = arith.addi %add3A_212, %mul3A_211 : i32
      %swap3A = arith.index_cast %add3A_213 : i32 to index
      %swap3A_214 = tpu.vector_load %arg9[%swap3A] {strides = array<i32>} : memref<1024xf32, #tpu.memory_space<vmem>>, vector<16xf32>,
      tpu.vector_store %arg9[%swap3A], %add3A_209 {strides = array<i32>} : memref<1024xf32, #tpu.memory_space<vmem>>, vector<16xf32>,
    }
    %scan3A_28 = arith.constant 16 : i32
    %scan3A_29 = arith.constant 0 : i32
    %scan3A_30 = arith.constant 0 : i32
    %scan3A_31 = arith.constant 100 : i32
    %scan3A_32 = arith.addi %scan3A_30, %scan3A_31 : i32
    %scan3A_33 = arith.constant 4 : i32
    scf.for %scan3A_71 = %scan3A_30 to %scan3A_32 step %scan3A_33  : i32 {
      %mul3A_72 = arith.constant 32768 : i32
      %mul3A_73 = arith.muli %scan3A_71, %mul3A_72 : i32
      %add3A_74 = arith.addi %mul3A_73, %mul3A_2 : i32
      %add3A_75 = arith.constant 512 : i32
      %add3A_76 = arith.addi %add3A_74, %add3A_75 : i32
      %mul3A_77 = arith.constant 256 : i32
      %mul3A_78 = arith.muli %scan3A_71, %mul3A_77 : i32
      %dma_start3A = tpu.memref_slice %arg6[%mul3A_78] : memref<25600xf32, #tpu.memory_space<vmem>> -> memref<256xf32, #tpu.memory_space<vmem>>
      %dma_start3A_79 = tpu.memref_slice %arg2[%add3A_76] : memref<3276800xf32, #tpu.memory_space<hbm>> -> memref<256xf32, #tpu.memory_space<hbm>>
      %dma_start3A_80 = tpu.memref_slice %arg6[%mul3A_78] : memref<25600xf32, #tpu.memory_space<vmem>> -> memref<256xf32, #tpu.memory_space<vmem>>
      %dma_start3A_81 = tpu.memref_slice %arg2[%add3A_76] : memref<3276800xf32, #tpu.memory_space<hbm>> -> memref<256xf32, #tpu.memory_space<hbm>>
      tpu.enqueue_dma source(%dma_start3A_81 : memref<256xf32, #tpu.memory_space<hbm>>) target(%dma_start3A_80 : memref<256xf32, #tpu.memory_space<vmem>>) target_semaphore(%arg12 : memref<!tpu.dma_semaphore, #tpu.memory_space<semaphore_mem>>)
      %scan3A_82 = arith.constant 1 : i32
      %scan3A_83 = arith.addi %scan3A_71, %scan3A_82 : i32
      %mul3A_84 = arith.constant 32768 : i32
      %mul3A_85 = arith.muli %scan3A_83, %mul3A_84 : i32
      %add3A_86 = arith.addi %mul3A_85, %mul3A_2 : i32
      %add3A_87 = arith.constant 512 : i32
      %add3A_88 = arith.addi %add3A_86, %add3A_87 : i32
      %mul3A_89 = arith.constant 256 : i32
      %mul3A_90 = arith.muli %scan3A_83, %mul3A_89 : i32
      %dma_start3A_91 = tpu.memref_slice %arg6[%mul3A_90] : memref<25600xf32, #tpu.memory_space<vmem>> -> memref<256xf32, #tpu.memory_space<vmem>>
      %dma_start3A_92 = tpu.memref_slice %arg2[%add3A_88] : memref<3276800xf32, #tpu.memory_space<hbm>> -> memref<256xf32, #tpu.memory_space<hbm>>
      %dma_start3A_93 = tpu.memref_slice %arg6[%mul3A_90] : memref<25600xf32, #tpu.memory_space<vmem>> -> memref<256xf32, #tpu.memory_space<vmem>>
      %dma_start3A_94 = tpu.memref_slice %arg2[%add3A_88] : memref<3276800xf32, #tpu.memory_space<hbm>> -> memref<256xf32, #tpu.memory_space<hbm>>
      tpu.enqueue_dma source(%dma_start3A_94 : memref<256xf32, #tpu.memory_space<hbm>>) target(%dma_start3A_93 : memref<256xf32, #tpu.memory_space<vmem>>) target_semaphore(%arg12 : memref<!tpu.dma_semaphore, #tpu.memory_space<semaphore_mem>>)
      %scan3A_95 = arith.constant 2 : i32
      %scan3A_96 = arith.addi %scan3A_71, %scan3A_95 : i32
      %mul3A_97 = arith.constant 32768 : i32
      %mul3A_98 = arith.muli %scan3A_96, %mul3A_97 : i32
      %add3A_99 = arith.addi %mul3A_98, %mul3A_2 : i32
      %add3A_100 = arith.constant 512 : i32
      %add3A_101 = arith.addi %add3A_99, %add3A_100 : i32
      %mul3A_102 = arith.constant 256 : i32
      %mul3A_103 = arith.muli %scan3A_96, %mul3A_102 : i32
      %dma_start3A_104 = tpu.memref_slice %arg6[%mul3A_103] : memref<25600xf32, #tpu.memory_space<vmem>> -> memref<256xf32, #tpu.memory_space<vmem>>
      %dma_start3A_105 = tpu.memref_slice %arg2[%add3A_101] : memref<3276800xf32, #tpu.memory_space<hbm>> -> memref<256xf32, #tpu.memory_space<hbm>>
      %dma_start3A_106 = tpu.memref_slice %arg6[%mul3A_103] : memref<25600xf32, #tpu.memory_space<vmem>> -> memref<256xf32, #tpu.memory_space<vmem>>
      %dma_start3A_107 = tpu.memref_slice %arg2[%add3A_101] : memref<3276800xf32, #tpu.memory_space<hbm>> -> memref<256xf32, #tpu.memory_space<hbm>>
      tpu.enqueue_dma source(%dma_start3A_107 : memref<256xf32, #tpu.memory_space<hbm>>) target(%dma_start3A_106 : memref<256xf32, #tpu.memory_space<vmem>>) target_semaphore(%arg12 : memref<!tpu.dma_semaphore, #tpu.memory_space<semaphore_mem>>)
      %scan3A_108 = arith.constant 3 : i32
      %scan3A_109 = arith.addi %scan3A_71, %scan3A_108 : i32
      %mul3A_110 = arith.constant 32768 : i32
      %mul3A_111 = arith.muli %scan3A_109, %mul3A_110 : i32
      %add3A_112 = arith.addi %mul3A_111, %mul3A_2 : i32
      %add3A_113 = arith.constant 512 : i32
      %add3A_114 = arith.addi %add3A_112, %add3A_113 : i32
      %mul3A_115 = arith.constant 256 : i32
      %mul3A_116 = arith.muli %scan3A_109, %mul3A_115 : i32
      %dma_start3A_117 = tpu.memref_slice %arg6[%mul3A_116] : memref<25600xf32, #tpu.memory_space<vmem>> -> memref<256xf32, #tpu.memory_space<vmem>>
      %dma_start3A_118 = tpu.memref_slice %arg2[%add3A_114] : memref<3276800xf32, #tpu.memory_space<hbm>> -> memref<256xf32, #tpu.memory_space<hbm>>
      %dma_start3A_119 = tpu.memref_slice %arg6[%mul3A_116] : memref<25600xf32, #tpu.memory_space<vmem>> -> memref<256xf32, #tpu.memory_space<vmem>>
      %dma_start3A_120 = tpu.memref_slice %arg2[%add3A_114] : memref<3276800xf32, #tpu.memory_space<hbm>> -> memref<256xf32, #tpu.memory_space<hbm>>
      tpu.enqueue_dma source(%dma_start3A_120 : memref<256xf32, #tpu.memory_space<hbm>>) target(%dma_start3A_119 : memref<256xf32, #tpu.memory_space<vmem>>) target_semaphore(%arg12 : memref<!tpu.dma_semaphore, #tpu.memory_space<semaphore_mem>>)
    }
    %scan3A_34 = arith.constant 100 : i32
    %dma_wait3A_35 = arith.constant 0 : i32
    %dma_wait3A_36 = tpu.memref_slice %arg2[%dma_wait3A_35] : memref<3276800xf32, #tpu.memory_space<hbm>> -> memref<25600xf32, #tpu.memory_space<hbm>>
    %dma_wait3A_37 = arith.constant 0 : i32
    %dma_wait3A_38 = tpu.memref_slice %arg2[%dma_wait3A_37] : memref<3276800xf32, #tpu.memory_space<hbm>> -> memref<25600xf32, #tpu.memory_space<hbm>>
    tpu.wait_dma2 semaphore(%arg13 : memref<!tpu.dma_semaphore, #tpu.memory_space<semaphore_mem>>) src(%dma_wait3A_38 : memref<25600xf32, #tpu.memory_space<hbm>>) dst(%arg7 : memref<25600xf32, #tpu.memory_space<vmem>>)
    %scan3A_39 = arith.constant 0 : i32
    %scan3A_40 = arith.constant 0 : i32
    %scan3A_41 = arith.constant 16 : i32
    %scan3A_42 = arith.addi %scan3A_40, %scan3A_41 : i32
    %scan3A_43 = arith.constant 1 : i32
    scf.for %scan3A_71 = %scan3A_40 to %scan3A_42 step %scan3A_43  : i32 {
      %mul3A_72 = arith.constant 16 : i32
      %mul3A_73 = arith.muli %scan3A_71, %mul3A_72 : i32
      %add3A_74 = arith.constant 256 : i32
      %add3A_75 = arith.addi %add3A_74, %mul3A_73 : i32
      %get3A = arith.index_cast %add3A_75 : i32 to index
      %get3A_76 = tpu.vector_load %arg8[%get3A] {strides = array<i32>} : memref<1024xf32, #tpu.memory_space<vmem>>, vector<16xf32>,
      %broadcast_in_dim3A = arith.constant 0 : i32
      %broadcast_in_dim3A_77 = vector.broadcast %broadcast_in_dim3A : i32 to vector<16xi32>
      %add3A_78 = arith.constant 49 : i32
      %add3A_79 = vector.broadcast %add3A_78 : i32 to vector<16xi32>
      %add3A_80 = arith.addi %broadcast_in_dim3A_77, %add3A_79 : vector<16xi32>
      %gather3A = tpu.vector_load_idx %arg10[%add3A_80] : memref<101xf32, #tpu.memory_space<vmem>>[vector<16xi32>], vector<16xf32>,
      %lt3A = arith.cmpf olt, %gather3A, %get3A_76 : vector<16xf32>
      %add3A_81 = arith.constant 50 : i32
      %add3A_82 = vector.broadcast %add3A_81 : i32 to vector<16xi32>
      %add3A_83 = arith.addi %broadcast_in_dim3A_77, %add3A_82 : vector<16xi32>
      %select_n3A = arith.select %lt3A, %add3A_83, %broadcast_in_dim3A_77 : vector<16xi1>, vector<16xi32>
      %add3A_84 = arith.constant 24 : i32
      %add3A_85 = vector.broadcast %add3A_84 : i32 to vector<16xi32>
      %add3A_86 = arith.addi %select_n3A, %add3A_85 : vector<16xi32>
      %gather3A_87 = tpu.vector_load_idx %arg10[%add3A_86] : memref<101xf32, #tpu.memory_space<vmem>>[vector<16xi32>], vector<16xf32>,
      %lt3A_88 = arith.cmpf olt, %gather3A_87, %get3A_76 : vector<16xf32>
      %add3A_89 = arith.constant 25 : i32
      %add3A_90 = vector.broadcast %add3A_89 : i32 to vector<16xi32>
      %add3A_91 = arith.addi %select_n3A, %add3A_90 : vector<16xi32>
      %select_n3A_92 = arith.select %lt3A_88, %add3A_91, %select_n3A : vector<16xi1>, vector<16xi32>
      %add3A_93 = arith.constant 12 : i32
      %add3A_94 = vector.broadcast %add3A_93 : i32 to vector<16xi32>
      %add3A_95 = arith.addi %select_n3A_92, %add3A_94 : vector<16xi32>
      %gather3A_96 = tpu.vector_load_idx %arg10[%add3A_95] : memref<101xf32, #tpu.memory_space<vmem>>[vector<16xi32>], vector<16xf32>,
      %lt3A_97 = arith.cmpf olt, %gather3A_96, %get3A_76 : vector<16xf32>
      %add3A_98 = arith.constant 13 : i32
      %add3A_99 = vector.broadcast %add3A_98 : i32 to vector<16xi32>
      %add3A_100 = arith.addi %select_n3A_92, %add3A_99 : vector<16xi32>
      %select_n3A_101 = arith.select %lt3A_97, %add3A_100, %select_n3A_92 : vector<16xi1>, vector<16xi32>
      %add3A_102 = arith.constant 5 : i32
      %add3A_103 = vector.broadcast %add3A_102 : i32 to vector<16xi32>
      %add3A_104 = arith.addi %select_n3A_101, %add3A_103 : vector<16xi32>
      %gather3A_105 = tpu.vector_load_idx %arg10[%add3A_104] : memref<101xf32, #tpu.memory_space<vmem>>[vector<16xi32>], vector<16xf32>,
      %lt3A_106 = arith.cmpf olt, %gather3A_105, %get3A_76 : vector<16xf32>
      %add3A_107 = arith.constant 6 : i32
      %add3A_108 = vector.broadcast %add3A_107 : i32 to vector<16xi32>
      %add3A_109 = arith.addi %select_n3A_101, %add3A_108 : vector<16xi32>
      %select_n3A_110 = arith.select %lt3A_106, %add3A_109, %select_n3A_101 : vector<16xi1>, vector<16xi32>
      %add3A_111 = arith.constant 2 : i32
      %add3A_112 = vector.broadcast %add3A_111 : i32 to vector<16xi32>
      %add3A_113 = arith.addi %select_n3A_110, %add3A_112 : vector<16xi32>
      %gather3A_114 = tpu.vector_load_idx %arg10[%add3A_113] : memref<101xf32, #tpu.memory_space<vmem>>[vector<16xi32>], vector<16xf32>,
      %lt3A_115 = arith.cmpf olt, %gather3A_114, %get3A_76 : vector<16xf32>
      %add3A_116 = arith.constant 3 : i32
      %add3A_117 = vector.broadcast %add3A_116 : i32 to vector<16xi32>
      %add3A_118 = arith.addi %select_n3A_110, %add3A_117 : vector<16xi32>
      %select_n3A_119 = arith.select %lt3A_115, %add3A_118, %select_n3A_110 : vector<16xi1>, vector<16xi32>
      %add3A_120 = arith.constant 1 : i32
      %add3A_121 = vector.broadcast %add3A_120 : i32 to vector<16xi32>
      %add3A_122 = arith.addi %select_n3A_119, %add3A_121 : vector<16xi32>
      %gather3A_123 = tpu.vector_load_idx %arg10[%add3A_122] : memref<101xf32, #tpu.memory_space<vmem>>[vector<16xi32>], vector<16xf32>,
      %lt3A_124 = arith.cmpf olt, %gather3A_123, %get3A_76 : vector<16xf32>
      %add3A_125 = arith.constant 2 : i32
      %add3A_126 = vector.broadcast %add3A_125 : i32 to vector<16xi32>
      %add3A_127 = arith.addi %select_n3A_119, %add3A_126 : vector<16xi32>
      %select_n3A_128 = arith.select %lt3A_124, %add3A_127, %select_n3A_119 : vector<16xi1>, vector<16xi32>
      %add3A_129 = arith.constant 0 : i32
      %add3A_130 = vector.broadcast %add3A_129 : i32 to vector<16xi32>
      %add3A_131 = arith.addi %select_n3A_128, %add3A_130 : vector<16xi32>
      %gather3A_132 = tpu.vector_load_idx %arg10[%add3A_131] : memref<101xf32, #tpu.memory_space<vmem>>[vector<16xi32>], vector<16xf32>,
      %lt3A_133 = arith.cmpf olt, %gather3A_132, %get3A_76 : vector<16xf32>
      %add3A_134 = arith.constant 1 : i32
      %add3A_135 = vector.broadcast %add3A_134 : i32 to vector<16xi32>
      %add3A_136 = arith.addi %select_n3A_128, %add3A_135 : vector<16xi32>
      %select_n3A_137 = arith.select %lt3A_133, %add3A_136, %select_n3A_128 : vector<16xi1>, vector<16xi32>
      %gather3A_138 = tpu.vector_load_idx %arg10[%select_n3A_137] : memref<101xf32, #tpu.memory_space<vmem>>[vector<16xi32>], vector<16xf32>,
      %lt3A_139 = arith.cmpf olt, %gather3A_138, %get3A_76 : vector<16xf32>
      %jit3A = arith.constant 1 : i32
      %jit3A_140 = arith.constant 0 : i32
      %broadcast_in_dim3A_141 = vector.broadcast %jit3A : i32 to vector<16xi32>
      %broadcast_in_dim3A_142 = vector.broadcast %jit3A_140 : i32 to vector<16xi32>
      %select_n3A_143 = arith.select %lt3A_139, %broadcast_in_dim3A_141, %broadcast_in_dim3A_142 : vector<16xi1>, vector<16xi32>
      %add3A_144 = arith.addi %select_n3A_137, %select_n3A_143 : vector<16xi32>
      %sub3A = arith.constant 1 : i32
      %sub3A_145 = vector.broadcast %sub3A : i32 to vector<16xi32>
      %sub3A_146 = arith.subi %add3A_144, %sub3A_145 : vector<16xi32>
      %jit3A_147 = arith.constant 0 : i32
      %jit3A_148 = arith.constant 99 : i32
      %max3A = vector.broadcast %jit3A_147 : i32 to vector<16xi32>
      %max3A_149 = arith.maxsi %max3A, %sub3A_146 : vector<16xi32>
      %min3A = vector.broadcast %jit3A_148 : i32 to vector<16xi32>
      %min3A_150 = arith.minsi %min3A, %max3A_149 : vector<16xi32>
      %broadcast_in_dim3A_151 = arith.constant 0.000000e+00 : f32
      %broadcast_in_dim3A_152 = vector.broadcast %broadcast_in_dim3A_151 : f32 to vector<16xf32>
      %scan3A_153 = arith.constant 0 : i32
      %scan3A_154 = arith.constant 100 : i32
      %scan3A_155 = arith.addi %scan3A_153, %scan3A_154 : i32
      %scan3A_156 = arith.constant 10 : i32
      %scan3A_157 = scf.for %scan3A_215 = %scan3A_153 to %scan3A_155 step %scan3A_156 iter_args(%scan3A_216 = %broadcast_in_dim3A_152) -> (vector<16xf32>)  : i32 {
        %mul3A_217 = arith.constant 256 : i32
        %mul3A_218 = arith.muli %scan3A_215, %mul3A_217 : i32
        %mul3A_219 = arith.constant 16 : i32
        %mul3A_220 = arith.muli %scan3A_71, %mul3A_219 : i32
        %add3A_221 = arith.addi %mul3A_218, %mul3A_220 : i32
        %get3A_222 = arith.index_cast %add3A_221 : i32 to index
        %get3A_223 = tpu.vector_load %arg7[%get3A_222] {strides = array<i32>} : memref<25600xf32, #tpu.memory_space<vmem>>, vector<16xf32>,
        %exp3A = math.exp %get3A_223 : vector<16xf32>
        %add3A_224 = arith.addf %scan3A_216, %exp3A : vector<16xf32>
        %scan3A_225 = arith.constant 1 : i32
        %scan3A_226 = arith.addi %scan3A_215, %scan3A_225 : i32
        %mul3A_227 = arith.constant 256 : i32
        %mul3A_228 = arith.muli %scan3A_226, %mul3A_227 : i32
        %mul3A_229 = arith.constant 16 : i32
        %mul3A_230 = arith.muli %scan3A_71, %mul3A_229 : i32
        %add3A_231 = arith.addi %mul3A_228, %mul3A_230 : i32
        %get3A_232 = arith.index_cast %add3A_231 : i32 to index
        %get3A_233 = tpu.vector_load %arg7[%get3A_232] {strides = array<i32>} : memref<25600xf32, #tpu.memory_space<vmem>>, vector<16xf32>,
        %exp3A_234 = math.exp %get3A_233 : vector<16xf32>
        %add3A_235 = arith.addf %add3A_224, %exp3A_234 : vector<16xf32>
        %scan3A_236 = arith.constant 2 : i32
        %scan3A_237 = arith.addi %scan3A_215, %scan3A_236 : i32
        %mul3A_238 = arith.constant 256 : i32
        %mul3A_239 = arith.muli %scan3A_237, %mul3A_238 : i32
        %mul3A_240 = arith.constant 16 : i32
        %mul3A_241 = arith.muli %scan3A_71, %mul3A_240 : i32
        %add3A_242 = arith.addi %mul3A_239, %mul3A_241 : i32
        %get3A_243 = arith.index_cast %add3A_242 : i32 to index
        %get3A_244 = tpu.vector_load %arg7[%get3A_243] {strides = array<i32>} : memref<25600xf32, #tpu.memory_space<vmem>>, vector<16xf32>,
        %exp3A_245 = math.exp %get3A_244 : vector<16xf32>
        %add3A_246 = arith.addf %add3A_235, %exp3A_245 : vector<16xf32>
        %scan3A_247 = arith.constant 3 : i32
        %scan3A_248 = arith.addi %scan3A_215, %scan3A_247 : i32
        %mul3A_249 = arith.constant 256 : i32
        %mul3A_250 = arith.muli %scan3A_248, %mul3A_249 : i32
        %mul3A_251 = arith.constant 16 : i32
        %mul3A_252 = arith.muli %scan3A_71, %mul3A_251 : i32
        %add3A_253 = arith.addi %mul3A_250, %mul3A_252 : i32
        %get3A_254 = arith.index_cast %add3A_253 : i32 to index
        %get3A_255 = tpu.vector_load %arg7[%get3A_254] {strides = array<i32>} : memref<25600xf32, #tpu.memory_space<vmem>>, vector<16xf32>,
        %exp3A_256 = math.exp %get3A_255 : vector<16xf32>
        %add3A_257 = arith.addf %add3A_246, %exp3A_256 : vector<16xf32>
        %scan3A_258 = arith.constant 4 : i32
        %scan3A_259 = arith.addi %scan3A_215, %scan3A_258 : i32
        %mul3A_260 = arith.constant 256 : i32
        %mul3A_261 = arith.muli %scan3A_259, %mul3A_260 : i32
        %mul3A_262 = arith.constant 16 : i32
        %mul3A_263 = arith.muli %scan3A_71, %mul3A_262 : i32
        %add3A_264 = arith.addi %mul3A_261, %mul3A_263 : i32
        %get3A_265 = arith.index_cast %add3A_264 : i32 to index
        %get3A_266 = tpu.vector_load %arg7[%get3A_265] {strides = array<i32>} : memref<25600xf32, #tpu.memory_space<vmem>>, vector<16xf32>,
        %exp3A_267 = math.exp %get3A_266 : vector<16xf32>
        %add3A_268 = arith.addf %add3A_257, %exp3A_267 : vector<16xf32>
        %scan3A_269 = arith.constant 5 : i32
        %scan3A_270 = arith.addi %scan3A_215, %scan3A_269 : i32
        %mul3A_271 = arith.constant 256 : i32
        %mul3A_272 = arith.muli %scan3A_270, %mul3A_271 : i32
        %mul3A_273 = arith.constant 16 : i32
        %mul3A_274 = arith.muli %scan3A_71, %mul3A_273 : i32
        %add3A_275 = arith.addi %mul3A_272, %mul3A_274 : i32
        %get3A_276 = arith.index_cast %add3A_275 : i32 to index
        %get3A_277 = tpu.vector_load %arg7[%get3A_276] {strides = array<i32>} : memref<25600xf32, #tpu.memory_space<vmem>>, vector<16xf32>,
        %exp3A_278 = math.exp %get3A_277 : vector<16xf32>
        %add3A_279 = arith.addf %add3A_268, %exp3A_278 : vector<16xf32>
        %scan3A_280 = arith.constant 6 : i32
        %scan3A_281 = arith.addi %scan3A_215, %scan3A_280 : i32
        %mul3A_282 = arith.constant 256 : i32
        %mul3A_283 = arith.muli %scan3A_281, %mul3A_282 : i32
        %mul3A_284 = arith.constant 16 : i32
        %mul3A_285 = arith.muli %scan3A_71, %mul3A_284 : i32
        %add3A_286 = arith.addi %mul3A_283, %mul3A_285 : i32
        %get3A_287 = arith.index_cast %add3A_286 : i32 to index
        %get3A_288 = tpu.vector_load %arg7[%get3A_287] {strides = array<i32>} : memref<25600xf32, #tpu.memory_space<vmem>>, vector<16xf32>,
        %exp3A_289 = math.exp %get3A_288 : vector<16xf32>
        %add3A_290 = arith.addf %add3A_279, %exp3A_289 : vector<16xf32>
        %scan3A_291 = arith.constant 7 : i32
        %scan3A_292 = arith.addi %scan3A_215, %scan3A_291 : i32
        %mul3A_293 = arith.constant 256 : i32
        %mul3A_294 = arith.muli %scan3A_292, %mul3A_293 : i32
        %mul3A_295 = arith.constant 16 : i32
        %mul3A_296 = arith.muli %scan3A_71, %mul3A_295 : i32
        %add3A_297 = arith.addi %mul3A_294, %mul3A_296 : i32
        %get3A_298 = arith.index_cast %add3A_297 : i32 to index
        %get3A_299 = tpu.vector_load %arg7[%get3A_298] {strides = array<i32>} : memref<25600xf32, #tpu.memory_space<vmem>>, vector<16xf32>,
        %exp3A_300 = math.exp %get3A_299 : vector<16xf32>
        %add3A_301 = arith.addf %add3A_290, %exp3A_300 : vector<16xf32>
        %scan3A_302 = arith.constant 8 : i32
        %scan3A_303 = arith.addi %scan3A_215, %scan3A_302 : i32
        %mul3A_304 = arith.constant 256 : i32
        %mul3A_305 = arith.muli %scan3A_303, %mul3A_304 : i32
        %mul3A_306 = arith.constant 16 : i32
        %mul3A_307 = arith.muli %scan3A_71, %mul3A_306 : i32
        %add3A_308 = arith.addi %mul3A_305, %mul3A_307 : i32
        %get3A_309 = arith.index_cast %add3A_308 : i32 to index
        %get3A_310 = tpu.vector_load %arg7[%get3A_309] {strides = array<i32>} : memref<25600xf32, #tpu.memory_space<vmem>>, vector<16xf32>,
        %exp3A_311 = math.exp %get3A_310 : vector<16xf32>
        %add3A_312 = arith.addf %add3A_301, %exp3A_311 : vector<16xf32>
        %scan3A_313 = arith.constant 9 : i32
        %scan3A_314 = arith.addi %scan3A_215, %scan3A_313 : i32
        %mul3A_315 = arith.constant 256 : i32
        %mul3A_316 = arith.muli %scan3A_314, %mul3A_315 : i32
        %mul3A_317 = arith.constant 16 : i32
        %mul3A_318 = arith.muli %scan3A_71, %mul3A_317 : i32
        %add3A_319 = arith.addi %mul3A_316, %mul3A_318 : i32
        %get3A_320 = arith.index_cast %add3A_319 : i32 to index
        %get3A_321 = tpu.vector_load %arg7[%get3A_320] {strides = array<i32>} : memref<25600xf32, #tpu.memory_space<vmem>>, vector<16xf32>,
        %exp3A_322 = math.exp %get3A_321 : vector<16xf32>
        %add3A_323 = arith.addf %add3A_312, %exp3A_322 : vector<16xf32>
        scf.yield %add3A_323 : vector<16xf32>
      }
      %scan3A_158 = arith.constant 100 : i32
      %mul3A_159 = arith.constant 256 : i32
      %mul3A_160 = vector.broadcast %mul3A_159 : i32 to vector<16xi32>
      %mul3A_161 = arith.muli %min3A_150, %mul3A_160 : vector<16xi32>
      %mul3A_162 = arith.constant 16 : i32
      %mul3A_163 = arith.muli %scan3A_71, %mul3A_162 : i32
      %add3A_164 = vector.broadcast %mul3A_163 : i32 to vector<16xi32>
      %add3A_165 = arith.addi %mul3A_161, %add3A_164 : vector<16xi32>
      %add3A_166 = arith.addi %add3A_165, %iota3A : vector<16xi32>
      %gather3A_167 = tpu.vector_load_idx %arg7[%add3A_166] : memref<25600xf32, #tpu.memory_space<vmem>>[vector<16xi32>], vector<16xf32>,
      %gather3A_168 = tpu.vector_load_idx %arg11[%min3A_150] : memref<112xf32, #tpu.memory_space<vmem>>[vector<16xi32>], vector<16xf32>,
      %bitcast3A = vector.bitcast %scan3A_157 : vector<16xf32> to vector<16xi32>
      %shift_right_arithmetic3A = arith.constant 23 : i32
      %shift_right_arithmetic3A_169 = vector.broadcast %shift_right_arithmetic3A : i32 to vector<16xi32>
      %shift_right_arithmetic3A_170 = arith.shrsi %bitcast3A, %shift_right_arithmetic3A_169 : vector<16xi32>
      %sub3A_171 = arith.constant 127 : i32
      %sub3A_172 = vector.broadcast %sub3A_171 : i32 to vector<16xi32>
      %sub3A_173 = arith.subi %shift_right_arithmetic3A_170, %sub3A_172 : vector<16xi32>
      %convert_element_type3A = arith.sitofp %sub3A_173 : vector<16xi32> to vector<16xf32>
      %and3A = arith.constant 8388607 : i32
      %and3A_174 = vector.broadcast %and3A : i32 to vector<16xi32>
      %and3A_175 = arith.andi %bitcast3A, %and3A_174 : vector<16xi32>
      %or3A = arith.constant 1065353216 : i32
      %or3A_176 = vector.broadcast %or3A : i32 to vector<16xi32>
      %or3A_177 = arith.ori %and3A_175, %or3A_176 : vector<16xi32>
      %bitcast3A_178 = vector.bitcast %or3A_177 : vector<16xi32> to vector<16xf32>
      %sub3A_179 = arith.constant 1.000000e+00 : f32
      %sub3A_180 = vector.broadcast %sub3A_179 : f32 to vector<16xf32>
      %sub3A_181 = arith.subf %bitcast3A_178, %sub3A_180 : vector<16xf32>
      %add3A_182 = arith.constant 1.000000e+00 : f32
      %add3A_183 = vector.broadcast %add3A_182 : f32 to vector<16xf32>
      %add3A_184 = arith.addf %bitcast3A_178, %add3A_183 : vector<16xf32>
      %div3A = arith.divf %sub3A_181, %add3A_184 : vector<16xf32>
      %mul3A_185 = arith.mulf %div3A, %div3A : vector<16xf32>
      %mul3A_186 = arith.constant 2.000000e+00 : f32
      %mul3A_187 = vector.broadcast %mul3A_186 : f32 to vector<16xf32>
      %mul3A_188 = arith.mulf %mul3A_187, %div3A : vector<16xf32>
      %mul3A_189 = arith.constant 0.142857149 : f32
      %mul3A_190 = vector.broadcast %mul3A_189 : f32 to vector<16xf32>
      %mul3A_191 = arith.mulf %mul3A_185, %mul3A_190 : vector<16xf32>
      %add3A_192 = arith.constant 2.000000e-01 : f32
      %add3A_193 = vector.broadcast %add3A_192 : f32 to vector<16xf32>
      %add3A_194 = arith.addf %add3A_193, %mul3A_191 : vector<16xf32>
      %mul3A_195 = arith.mulf %mul3A_185, %add3A_194 : vector<16xf32>
      %add3A_196 = arith.constant 0.333333343 : f32
      %add3A_197 = vector.broadcast %add3A_196 : f32 to vector<16xf32>
      %add3A_198 = arith.addf %add3A_197, %mul3A_195 : vector<16xf32>
      %mul3A_199 = arith.mulf %mul3A_185, %add3A_198 : vector<16xf32>
      %add3A_200 = arith.constant 1.000000e+00 : f32
      %add3A_201 = vector.broadcast %add3A_200 : f32 to vector<16xf32>
      %add3A_202 = arith.addf %add3A_201, %mul3A_199 : vector<16xf32>
      %mul3A_203 = arith.mulf %mul3A_188, %add3A_202 : vector<16xf32>
      %mul3A_204 = arith.constant 0.693147182 : f32
      %mul3A_205 = vector.broadcast %mul3A_204 : f32 to vector<16xf32>
      %mul3A_206 = arith.mulf %convert_element_type3A, %mul3A_205 : vector<16xf32>
      %add3A_207 = arith.addf %mul3A_206, %mul3A_203 : vector<16xf32>
      %sub3A_208 = arith.subf %add3A_207, %gather3A_167 : vector<16xf32>
      %add3A_209 = arith.addf %sub3A_208, %gather3A_168 : vector<16xf32>
      %mul3A_210 = arith.constant 16 : i32
      %mul3A_211 = arith.muli %scan3A_71, %mul3A_210 : i32
      %add3A_212 = arith.constant 256 : i32
      %add3A_213 = arith.addi %add3A_212, %mul3A_211 : i32
      %swap3A = arith.index_cast %add3A_213 : i32 to index
      %swap3A_214 = tpu.vector_load %arg9[%swap3A] {strides = array<i32>} : memref<1024xf32, #tpu.memory_space<vmem>>, vector<16xf32>,
      tpu.vector_store %arg9[%swap3A], %add3A_209 {strides = array<i32>} : memref<1024xf32, #tpu.memory_space<vmem>>, vector<16xf32>,
    }
    %scan3A_44 = arith.constant 16 : i32
    %scan3A_45 = arith.constant 0 : i32
    %scan3A_46 = arith.constant 0 : i32
    %scan3A_47 = arith.constant 100 : i32
    %scan3A_48 = arith.addi %scan3A_46, %scan3A_47 : i32
    %scan3A_49 = arith.constant 4 : i32
    scf.for %scan3A_71 = %scan3A_46 to %scan3A_48 step %scan3A_49  : i32 {
      %mul3A_72 = arith.constant 32768 : i32
      %mul3A_73 = arith.muli %scan3A_71, %mul3A_72 : i32
      %add3A_74 = arith.addi %mul3A_73, %mul3A_2 : i32
      %add3A_75 = arith.constant 768 : i32
      %add3A_76 = arith.addi %add3A_74, %add3A_75 : i32
      %mul3A_77 = arith.constant 256 : i32
      %mul3A_78 = arith.muli %scan3A_71, %mul3A_77 : i32
      %dma_start3A = tpu.memref_slice %arg7[%mul3A_78] : memref<25600xf32, #tpu.memory_space<vmem>> -> memref<256xf32, #tpu.memory_space<vmem>>
      %dma_start3A_79 = tpu.memref_slice %arg2[%add3A_76] : memref<3276800xf32, #tpu.memory_space<hbm>> -> memref<256xf32, #tpu.memory_space<hbm>>
      %dma_start3A_80 = tpu.memref_slice %arg7[%mul3A_78] : memref<25600xf32, #tpu.memory_space<vmem>> -> memref<256xf32, #tpu.memory_space<vmem>>
      %dma_start3A_81 = tpu.memref_slice %arg2[%add3A_76] : memref<3276800xf32, #tpu.memory_space<hbm>> -> memref<256xf32, #tpu.memory_space<hbm>>
      tpu.enqueue_dma source(%dma_start3A_81 : memref<256xf32, #tpu.memory_space<hbm>>) target(%dma_start3A_80 : memref<256xf32, #tpu.memory_space<vmem>>) target_semaphore(%arg13 : memref<!tpu.dma_semaphore, #tpu.memory_space<semaphore_mem>>)
      %scan3A_82 = arith.constant 1 : i32
      %scan3A_83 = arith.addi %scan3A_71, %scan3A_82 : i32
      %mul3A_84 = arith.constant 32768 : i32
      %mul3A_85 = arith.muli %scan3A_83, %mul3A_84 : i32
      %add3A_86 = arith.addi %mul3A_85, %mul3A_2 : i32
      %add3A_87 = arith.constant 768 : i32
      %add3A_88 = arith.addi %add3A_86, %add3A_87 : i32
      %mul3A_89 = arith.constant 256 : i32
      %mul3A_90 = arith.muli %scan3A_83, %mul3A_89 : i32
      %dma_start3A_91 = tpu.memref_slice %arg7[%mul3A_90] : memref<25600xf32, #tpu.memory_space<vmem>> -> memref<256xf32, #tpu.memory_space<vmem>>
      %dma_start3A_92 = tpu.memref_slice %arg2[%add3A_88] : memref<3276800xf32, #tpu.memory_space<hbm>> -> memref<256xf32, #tpu.memory_space<hbm>>
      %dma_start3A_93 = tpu.memref_slice %arg7[%mul3A_90] : memref<25600xf32, #tpu.memory_space<vmem>> -> memref<256xf32, #tpu.memory_space<vmem>>
      %dma_start3A_94 = tpu.memref_slice %arg2[%add3A_88] : memref<3276800xf32, #tpu.memory_space<hbm>> -> memref<256xf32, #tpu.memory_space<hbm>>
      tpu.enqueue_dma source(%dma_start3A_94 : memref<256xf32, #tpu.memory_space<hbm>>) target(%dma_start3A_93 : memref<256xf32, #tpu.memory_space<vmem>>) target_semaphore(%arg13 : memref<!tpu.dma_semaphore, #tpu.memory_space<semaphore_mem>>)
      %scan3A_95 = arith.constant 2 : i32
      %scan3A_96 = arith.addi %scan3A_71, %scan3A_95 : i32
      %mul3A_97 = arith.constant 32768 : i32
      %mul3A_98 = arith.muli %scan3A_96, %mul3A_97 : i32
      %add3A_99 = arith.addi %mul3A_98, %mul3A_2 : i32
      %add3A_100 = arith.constant 768 : i32
      %add3A_101 = arith.addi %add3A_99, %add3A_100 : i32
      %mul3A_102 = arith.constant 256 : i32
      %mul3A_103 = arith.muli %scan3A_96, %mul3A_102 : i32
      %dma_start3A_104 = tpu.memref_slice %arg7[%mul3A_103] : memref<25600xf32, #tpu.memory_space<vmem>> -> memref<256xf32, #tpu.memory_space<vmem>>
      %dma_start3A_105 = tpu.memref_slice %arg2[%add3A_101] : memref<3276800xf32, #tpu.memory_space<hbm>> -> memref<256xf32, #tpu.memory_space<hbm>>
      %dma_start3A_106 = tpu.memref_slice %arg7[%mul3A_103] : memref<25600xf32, #tpu.memory_space<vmem>> -> memref<256xf32, #tpu.memory_space<vmem>>
      %dma_start3A_107 = tpu.memref_slice %arg2[%add3A_101] : memref<3276800xf32, #tpu.memory_space<hbm>> -> memref<256xf32, #tpu.memory_space<hbm>>
      tpu.enqueue_dma source(%dma_start3A_107 : memref<256xf32, #tpu.memory_space<hbm>>) target(%dma_start3A_106 : memref<256xf32, #tpu.memory_space<vmem>>) target_semaphore(%arg13 : memref<!tpu.dma_semaphore, #tpu.memory_space<semaphore_mem>>)
      %scan3A_108 = arith.constant 3 : i32
      %scan3A_109 = arith.addi %scan3A_71, %scan3A_108 : i32
      %mul3A_110 = arith.constant 32768 : i32
      %mul3A_111 = arith.muli %scan3A_109, %mul3A_110 : i32
      %add3A_112 = arith.addi %mul3A_111, %mul3A_2 : i32
      %add3A_113 = arith.constant 768 : i32
      %add3A_114 = arith.addi %add3A_112, %add3A_113 : i32
      %mul3A_115 = arith.constant 256 : i32
      %mul3A_116 = arith.muli %scan3A_109, %mul3A_115 : i32
      %dma_start3A_117 = tpu.memref_slice %arg7[%mul3A_116] : memref<25600xf32, #tpu.memory_space<vmem>> -> memref<256xf32, #tpu.memory_space<vmem>>
      %dma_start3A_118 = tpu.memref_slice %arg2[%add3A_114] : memref<3276800xf32, #tpu.memory_space<hbm>> -> memref<256xf32, #tpu.memory_space<hbm>>
      %dma_start3A_119 = tpu.memref_slice %arg7[%mul3A_116] : memref<25600xf32, #tpu.memory_space<vmem>> -> memref<256xf32, #tpu.memory_space<vmem>>
      %dma_start3A_120 = tpu.memref_slice %arg2[%add3A_114] : memref<3276800xf32, #tpu.memory_space<hbm>> -> memref<256xf32, #tpu.memory_space<hbm>>
      tpu.enqueue_dma source(%dma_start3A_120 : memref<256xf32, #tpu.memory_space<hbm>>) target(%dma_start3A_119 : memref<256xf32, #tpu.memory_space<vmem>>) target_semaphore(%arg13 : memref<!tpu.dma_semaphore, #tpu.memory_space<semaphore_mem>>)
    }
    %scan3A_50 = arith.constant 100 : i32
    %dma_wait3A_51 = arith.constant 0 : i32
    %dma_wait3A_52 = tpu.memref_slice %arg2[%dma_wait3A_51] : memref<3276800xf32, #tpu.memory_space<hbm>> -> memref<25600xf32, #tpu.memory_space<hbm>>
    %dma_wait3A_53 = arith.constant 0 : i32
    %dma_wait3A_54 = tpu.memref_slice %arg2[%dma_wait3A_53] : memref<3276800xf32, #tpu.memory_space<hbm>> -> memref<25600xf32, #tpu.memory_space<hbm>>
    tpu.wait_dma2 semaphore(%arg12 : memref<!tpu.dma_semaphore, #tpu.memory_space<semaphore_mem>>) src(%dma_wait3A_54 : memref<25600xf32, #tpu.memory_space<hbm>>) dst(%arg6 : memref<25600xf32, #tpu.memory_space<vmem>>)
    %scan3A_55 = arith.constant 0 : i32
    %scan3A_56 = arith.constant 0 : i32
    %scan3A_57 = arith.constant 16 : i32
    %scan3A_58 = arith.addi %scan3A_56, %scan3A_57 : i32
    %scan3A_59 = arith.constant 1 : i32
    scf.for %scan3A_71 = %scan3A_56 to %scan3A_58 step %scan3A_59  : i32 {
      %mul3A_72 = arith.constant 16 : i32
      %mul3A_73 = arith.muli %scan3A_71, %mul3A_72 : i32
      %add3A_74 = arith.constant 512 : i32
      %add3A_75 = arith.addi %add3A_74, %mul3A_73 : i32
      %get3A = arith.index_cast %add3A_75 : i32 to index
      %get3A_76 = tpu.vector_load %arg8[%get3A] {strides = array<i32>} : memref<1024xf32, #tpu.memory_space<vmem>>, vector<16xf32>,
      %broadcast_in_dim3A = arith.constant 0 : i32
      %broadcast_in_dim3A_77 = vector.broadcast %broadcast_in_dim3A : i32 to vector<16xi32>
      %add3A_78 = arith.constant 49 : i32
      %add3A_79 = vector.broadcast %add3A_78 : i32 to vector<16xi32>
      %add3A_80 = arith.addi %broadcast_in_dim3A_77, %add3A_79 : vector<16xi32>
      %gather3A = tpu.vector_load_idx %arg10[%add3A_80] : memref<101xf32, #tpu.memory_space<vmem>>[vector<16xi32>], vector<16xf32>,
      %lt3A = arith.cmpf olt, %gather3A, %get3A_76 : vector<16xf32>
      %add3A_81 = arith.constant 50 : i32
      %add3A_82 = vector.broadcast %add3A_81 : i32 to vector<16xi32>
      %add3A_83 = arith.addi %broadcast_in_dim3A_77, %add3A_82 : vector<16xi32>
      %select_n3A = arith.select %lt3A, %add3A_83, %broadcast_in_dim3A_77 : vector<16xi1>, vector<16xi32>
      %add3A_84 = arith.constant 24 : i32
      %add3A_85 = vector.broadcast %add3A_84 : i32 to vector<16xi32>
      %add3A_86 = arith.addi %select_n3A, %add3A_85 : vector<16xi32>
      %gather3A_87 = tpu.vector_load_idx %arg10[%add3A_86] : memref<101xf32, #tpu.memory_space<vmem>>[vector<16xi32>], vector<16xf32>,
      %lt3A_88 = arith.cmpf olt, %gather3A_87, %get3A_76 : vector<16xf32>
      %add3A_89 = arith.constant 25 : i32
      %add3A_90 = vector.broadcast %add3A_89 : i32 to vector<16xi32>
      %add3A_91 = arith.addi %select_n3A, %add3A_90 : vector<16xi32>
      %select_n3A_92 = arith.select %lt3A_88, %add3A_91, %select_n3A : vector<16xi1>, vector<16xi32>
      %add3A_93 = arith.constant 12 : i32
      %add3A_94 = vector.broadcast %add3A_93 : i32 to vector<16xi32>
      %add3A_95 = arith.addi %select_n3A_92, %add3A_94 : vector<16xi32>
      %gather3A_96 = tpu.vector_load_idx %arg10[%add3A_95] : memref<101xf32, #tpu.memory_space<vmem>>[vector<16xi32>], vector<16xf32>,
      %lt3A_97 = arith.cmpf olt, %gather3A_96, %get3A_76 : vector<16xf32>
      %add3A_98 = arith.constant 13 : i32
      %add3A_99 = vector.broadcast %add3A_98 : i32 to vector<16xi32>
      %add3A_100 = arith.addi %select_n3A_92, %add3A_99 : vector<16xi32>
      %select_n3A_101 = arith.select %lt3A_97, %add3A_100, %select_n3A_92 : vector<16xi1>, vector<16xi32>
      %add3A_102 = arith.constant 5 : i32
      %add3A_103 = vector.broadcast %add3A_102 : i32 to vector<16xi32>
      %add3A_104 = arith.addi %select_n3A_101, %add3A_103 : vector<16xi32>
      %gather3A_105 = tpu.vector_load_idx %arg10[%add3A_104] : memref<101xf32, #tpu.memory_space<vmem>>[vector<16xi32>], vector<16xf32>,
      %lt3A_106 = arith.cmpf olt, %gather3A_105, %get3A_76 : vector<16xf32>
      %add3A_107 = arith.constant 6 : i32
      %add3A_108 = vector.broadcast %add3A_107 : i32 to vector<16xi32>
      %add3A_109 = arith.addi %select_n3A_101, %add3A_108 : vector<16xi32>
      %select_n3A_110 = arith.select %lt3A_106, %add3A_109, %select_n3A_101 : vector<16xi1>, vector<16xi32>
      %add3A_111 = arith.constant 2 : i32
      %add3A_112 = vector.broadcast %add3A_111 : i32 to vector<16xi32>
      %add3A_113 = arith.addi %select_n3A_110, %add3A_112 : vector<16xi32>
      %gather3A_114 = tpu.vector_load_idx %arg10[%add3A_113] : memref<101xf32, #tpu.memory_space<vmem>>[vector<16xi32>], vector<16xf32>,
      %lt3A_115 = arith.cmpf olt, %gather3A_114, %get3A_76 : vector<16xf32>
      %add3A_116 = arith.constant 3 : i32
      %add3A_117 = vector.broadcast %add3A_116 : i32 to vector<16xi32>
      %add3A_118 = arith.addi %select_n3A_110, %add3A_117 : vector<16xi32>
      %select_n3A_119 = arith.select %lt3A_115, %add3A_118, %select_n3A_110 : vector<16xi1>, vector<16xi32>
      %add3A_120 = arith.constant 1 : i32
      %add3A_121 = vector.broadcast %add3A_120 : i32 to vector<16xi32>
      %add3A_122 = arith.addi %select_n3A_119, %add3A_121 : vector<16xi32>
      %gather3A_123 = tpu.vector_load_idx %arg10[%add3A_122] : memref<101xf32, #tpu.memory_space<vmem>>[vector<16xi32>], vector<16xf32>,
      %lt3A_124 = arith.cmpf olt, %gather3A_123, %get3A_76 : vector<16xf32>
      %add3A_125 = arith.constant 2 : i32
      %add3A_126 = vector.broadcast %add3A_125 : i32 to vector<16xi32>
      %add3A_127 = arith.addi %select_n3A_119, %add3A_126 : vector<16xi32>
      %select_n3A_128 = arith.select %lt3A_124, %add3A_127, %select_n3A_119 : vector<16xi1>, vector<16xi32>
      %add3A_129 = arith.constant 0 : i32
      %add3A_130 = vector.broadcast %add3A_129 : i32 to vector<16xi32>
      %add3A_131 = arith.addi %select_n3A_128, %add3A_130 : vector<16xi32>
      %gather3A_132 = tpu.vector_load_idx %arg10[%add3A_131] : memref<101xf32, #tpu.memory_space<vmem>>[vector<16xi32>], vector<16xf32>,
      %lt3A_133 = arith.cmpf olt, %gather3A_132, %get3A_76 : vector<16xf32>
      %add3A_134 = arith.constant 1 : i32
      %add3A_135 = vector.broadcast %add3A_134 : i32 to vector<16xi32>
      %add3A_136 = arith.addi %select_n3A_128, %add3A_135 : vector<16xi32>
      %select_n3A_137 = arith.select %lt3A_133, %add3A_136, %select_n3A_128 : vector<16xi1>, vector<16xi32>
      %gather3A_138 = tpu.vector_load_idx %arg10[%select_n3A_137] : memref<101xf32, #tpu.memory_space<vmem>>[vector<16xi32>], vector<16xf32>,
      %lt3A_139 = arith.cmpf olt, %gather3A_138, %get3A_76 : vector<16xf32>
      %jit3A = arith.constant 1 : i32
      %jit3A_140 = arith.constant 0 : i32
      %broadcast_in_dim3A_141 = vector.broadcast %jit3A : i32 to vector<16xi32>
      %broadcast_in_dim3A_142 = vector.broadcast %jit3A_140 : i32 to vector<16xi32>
      %select_n3A_143 = arith.select %lt3A_139, %broadcast_in_dim3A_141, %broadcast_in_dim3A_142 : vector<16xi1>, vector<16xi32>
      %add3A_144 = arith.addi %select_n3A_137, %select_n3A_143 : vector<16xi32>
      %sub3A = arith.constant 1 : i32
      %sub3A_145 = vector.broadcast %sub3A : i32 to vector<16xi32>
      %sub3A_146 = arith.subi %add3A_144, %sub3A_145 : vector<16xi32>
      %jit3A_147 = arith.constant 0 : i32
      %jit3A_148 = arith.constant 99 : i32
      %max3A = vector.broadcast %jit3A_147 : i32 to vector<16xi32>
      %max3A_149 = arith.maxsi %max3A, %sub3A_146 : vector<16xi32>
      %min3A = vector.broadcast %jit3A_148 : i32 to vector<16xi32>
      %min3A_150 = arith.minsi %min3A, %max3A_149 : vector<16xi32>
      %broadcast_in_dim3A_151 = arith.constant 0.000000e+00 : f32
      %broadcast_in_dim3A_152 = vector.broadcast %broadcast_in_dim3A_151 : f32 to vector<16xf32>
      %scan3A_153 = arith.constant 0 : i32
      %scan3A_154 = arith.constant 100 : i32
      %scan3A_155 = arith.addi %scan3A_153, %scan3A_154 : i32
      %scan3A_156 = arith.constant 10 : i32
      %scan3A_157 = scf.for %scan3A_215 = %scan3A_153 to %scan3A_155 step %scan3A_156 iter_args(%scan3A_216 = %broadcast_in_dim3A_152) -> (vector<16xf32>)  : i32 {
        %mul3A_217 = arith.constant 256 : i32
        %mul3A_218 = arith.muli %scan3A_215, %mul3A_217 : i32
        %mul3A_219 = arith.constant 16 : i32
        %mul3A_220 = arith.muli %scan3A_71, %mul3A_219 : i32
        %add3A_221 = arith.addi %mul3A_218, %mul3A_220 : i32
        %get3A_222 = arith.index_cast %add3A_221 : i32 to index
        %get3A_223 = tpu.vector_load %arg6[%get3A_222] {strides = array<i32>} : memref<25600xf32, #tpu.memory_space<vmem>>, vector<16xf32>,
        %exp3A = math.exp %get3A_223 : vector<16xf32>
        %add3A_224 = arith.addf %scan3A_216, %exp3A : vector<16xf32>
        %scan3A_225 = arith.constant 1 : i32
        %scan3A_226 = arith.addi %scan3A_215, %scan3A_225 : i32
        %mul3A_227 = arith.constant 256 : i32
        %mul3A_228 = arith.muli %scan3A_226, %mul3A_227 : i32
        %mul3A_229 = arith.constant 16 : i32
        %mul3A_230 = arith.muli %scan3A_71, %mul3A_229 : i32
        %add3A_231 = arith.addi %mul3A_228, %mul3A_230 : i32
        %get3A_232 = arith.index_cast %add3A_231 : i32 to index
        %get3A_233 = tpu.vector_load %arg6[%get3A_232] {strides = array<i32>} : memref<25600xf32, #tpu.memory_space<vmem>>, vector<16xf32>,
        %exp3A_234 = math.exp %get3A_233 : vector<16xf32>
        %add3A_235 = arith.addf %add3A_224, %exp3A_234 : vector<16xf32>
        %scan3A_236 = arith.constant 2 : i32
        %scan3A_237 = arith.addi %scan3A_215, %scan3A_236 : i32
        %mul3A_238 = arith.constant 256 : i32
        %mul3A_239 = arith.muli %scan3A_237, %mul3A_238 : i32
        %mul3A_240 = arith.constant 16 : i32
        %mul3A_241 = arith.muli %scan3A_71, %mul3A_240 : i32
        %add3A_242 = arith.addi %mul3A_239, %mul3A_241 : i32
        %get3A_243 = arith.index_cast %add3A_242 : i32 to index
        %get3A_244 = tpu.vector_load %arg6[%get3A_243] {strides = array<i32>} : memref<25600xf32, #tpu.memory_space<vmem>>, vector<16xf32>,
        %exp3A_245 = math.exp %get3A_244 : vector<16xf32>
        %add3A_246 = arith.addf %add3A_235, %exp3A_245 : vector<16xf32>
        %scan3A_247 = arith.constant 3 : i32
        %scan3A_248 = arith.addi %scan3A_215, %scan3A_247 : i32
        %mul3A_249 = arith.constant 256 : i32
        %mul3A_250 = arith.muli %scan3A_248, %mul3A_249 : i32
        %mul3A_251 = arith.constant 16 : i32
        %mul3A_252 = arith.muli %scan3A_71, %mul3A_251 : i32
        %add3A_253 = arith.addi %mul3A_250, %mul3A_252 : i32
        %get3A_254 = arith.index_cast %add3A_253 : i32 to index
        %get3A_255 = tpu.vector_load %arg6[%get3A_254] {strides = array<i32>} : memref<25600xf32, #tpu.memory_space<vmem>>, vector<16xf32>,
        %exp3A_256 = math.exp %get3A_255 : vector<16xf32>
        %add3A_257 = arith.addf %add3A_246, %exp3A_256 : vector<16xf32>
        %scan3A_258 = arith.constant 4 : i32
        %scan3A_259 = arith.addi %scan3A_215, %scan3A_258 : i32
        %mul3A_260 = arith.constant 256 : i32
        %mul3A_261 = arith.muli %scan3A_259, %mul3A_260 : i32
        %mul3A_262 = arith.constant 16 : i32
        %mul3A_263 = arith.muli %scan3A_71, %mul3A_262 : i32
        %add3A_264 = arith.addi %mul3A_261, %mul3A_263 : i32
        %get3A_265 = arith.index_cast %add3A_264 : i32 to index
        %get3A_266 = tpu.vector_load %arg6[%get3A_265] {strides = array<i32>} : memref<25600xf32, #tpu.memory_space<vmem>>, vector<16xf32>,
        %exp3A_267 = math.exp %get3A_266 : vector<16xf32>
        %add3A_268 = arith.addf %add3A_257, %exp3A_267 : vector<16xf32>
        %scan3A_269 = arith.constant 5 : i32
        %scan3A_270 = arith.addi %scan3A_215, %scan3A_269 : i32
        %mul3A_271 = arith.constant 256 : i32
        %mul3A_272 = arith.muli %scan3A_270, %mul3A_271 : i32
        %mul3A_273 = arith.constant 16 : i32
        %mul3A_274 = arith.muli %scan3A_71, %mul3A_273 : i32
        %add3A_275 = arith.addi %mul3A_272, %mul3A_274 : i32
        %get3A_276 = arith.index_cast %add3A_275 : i32 to index
        %get3A_277 = tpu.vector_load %arg6[%get3A_276] {strides = array<i32>} : memref<25600xf32, #tpu.memory_space<vmem>>, vector<16xf32>,
        %exp3A_278 = math.exp %get3A_277 : vector<16xf32>
        %add3A_279 = arith.addf %add3A_268, %exp3A_278 : vector<16xf32>
        %scan3A_280 = arith.constant 6 : i32
        %scan3A_281 = arith.addi %scan3A_215, %scan3A_280 : i32
        %mul3A_282 = arith.constant 256 : i32
        %mul3A_283 = arith.muli %scan3A_281, %mul3A_282 : i32
        %mul3A_284 = arith.constant 16 : i32
        %mul3A_285 = arith.muli %scan3A_71, %mul3A_284 : i32
        %add3A_286 = arith.addi %mul3A_283, %mul3A_285 : i32
        %get3A_287 = arith.index_cast %add3A_286 : i32 to index
        %get3A_288 = tpu.vector_load %arg6[%get3A_287] {strides = array<i32>} : memref<25600xf32, #tpu.memory_space<vmem>>, vector<16xf32>,
        %exp3A_289 = math.exp %get3A_288 : vector<16xf32>
        %add3A_290 = arith.addf %add3A_279, %exp3A_289 : vector<16xf32>
        %scan3A_291 = arith.constant 7 : i32
        %scan3A_292 = arith.addi %scan3A_215, %scan3A_291 : i32
        %mul3A_293 = arith.constant 256 : i32
        %mul3A_294 = arith.muli %scan3A_292, %mul3A_293 : i32
        %mul3A_295 = arith.constant 16 : i32
        %mul3A_296 = arith.muli %scan3A_71, %mul3A_295 : i32
        %add3A_297 = arith.addi %mul3A_294, %mul3A_296 : i32
        %get3A_298 = arith.index_cast %add3A_297 : i32 to index
        %get3A_299 = tpu.vector_load %arg6[%get3A_298] {strides = array<i32>} : memref<25600xf32, #tpu.memory_space<vmem>>, vector<16xf32>,
        %exp3A_300 = math.exp %get3A_299 : vector<16xf32>
        %add3A_301 = arith.addf %add3A_290, %exp3A_300 : vector<16xf32>
        %scan3A_302 = arith.constant 8 : i32
        %scan3A_303 = arith.addi %scan3A_215, %scan3A_302 : i32
        %mul3A_304 = arith.constant 256 : i32
        %mul3A_305 = arith.muli %scan3A_303, %mul3A_304 : i32
        %mul3A_306 = arith.constant 16 : i32
        %mul3A_307 = arith.muli %scan3A_71, %mul3A_306 : i32
        %add3A_308 = arith.addi %mul3A_305, %mul3A_307 : i32
        %get3A_309 = arith.index_cast %add3A_308 : i32 to index
        %get3A_310 = tpu.vector_load %arg6[%get3A_309] {strides = array<i32>} : memref<25600xf32, #tpu.memory_space<vmem>>, vector<16xf32>,
        %exp3A_311 = math.exp %get3A_310 : vector<16xf32>
        %add3A_312 = arith.addf %add3A_301, %exp3A_311 : vector<16xf32>
        %scan3A_313 = arith.constant 9 : i32
        %scan3A_314 = arith.addi %scan3A_215, %scan3A_313 : i32
        %mul3A_315 = arith.constant 256 : i32
        %mul3A_316 = arith.muli %scan3A_314, %mul3A_315 : i32
        %mul3A_317 = arith.constant 16 : i32
        %mul3A_318 = arith.muli %scan3A_71, %mul3A_317 : i32
        %add3A_319 = arith.addi %mul3A_316, %mul3A_318 : i32
        %get3A_320 = arith.index_cast %add3A_319 : i32 to index
        %get3A_321 = tpu.vector_load %arg6[%get3A_320] {strides = array<i32>} : memref<25600xf32, #tpu.memory_space<vmem>>, vector<16xf32>,
        %exp3A_322 = math.exp %get3A_321 : vector<16xf32>
        %add3A_323 = arith.addf %add3A_312, %exp3A_322 : vector<16xf32>
        scf.yield %add3A_323 : vector<16xf32>
      }
      %scan3A_158 = arith.constant 100 : i32
      %mul3A_159 = arith.constant 256 : i32
      %mul3A_160 = vector.broadcast %mul3A_159 : i32 to vector<16xi32>
      %mul3A_161 = arith.muli %min3A_150, %mul3A_160 : vector<16xi32>
      %mul3A_162 = arith.constant 16 : i32
      %mul3A_163 = arith.muli %scan3A_71, %mul3A_162 : i32
      %add3A_164 = vector.broadcast %mul3A_163 : i32 to vector<16xi32>
      %add3A_165 = arith.addi %mul3A_161, %add3A_164 : vector<16xi32>
      %add3A_166 = arith.addi %add3A_165, %iota3A : vector<16xi32>
      %gather3A_167 = tpu.vector_load_idx %arg6[%add3A_166] : memref<25600xf32, #tpu.memory_space<vmem>>[vector<16xi32>], vector<16xf32>,
      %gather3A_168 = tpu.vector_load_idx %arg11[%min3A_150] : memref<112xf32, #tpu.memory_space<vmem>>[vector<16xi32>], vector<16xf32>,
      %bitcast3A = vector.bitcast %scan3A_157 : vector<16xf32> to vector<16xi32>
      %shift_right_arithmetic3A = arith.constant 23 : i32
      %shift_right_arithmetic3A_169 = vector.broadcast %shift_right_arithmetic3A : i32 to vector<16xi32>
      %shift_right_arithmetic3A_170 = arith.shrsi %bitcast3A, %shift_right_arithmetic3A_169 : vector<16xi32>
      %sub3A_171 = arith.constant 127 : i32
      %sub3A_172 = vector.broadcast %sub3A_171 : i32 to vector<16xi32>
      %sub3A_173 = arith.subi %shift_right_arithmetic3A_170, %sub3A_172 : vector<16xi32>
      %convert_element_type3A = arith.sitofp %sub3A_173 : vector<16xi32> to vector<16xf32>
      %and3A = arith.constant 8388607 : i32
      %and3A_174 = vector.broadcast %and3A : i32 to vector<16xi32>
      %and3A_175 = arith.andi %bitcast3A, %and3A_174 : vector<16xi32>
      %or3A = arith.constant 1065353216 : i32
      %or3A_176 = vector.broadcast %or3A : i32 to vector<16xi32>
      %or3A_177 = arith.ori %and3A_175, %or3A_176 : vector<16xi32>
      %bitcast3A_178 = vector.bitcast %or3A_177 : vector<16xi32> to vector<16xf32>
      %sub3A_179 = arith.constant 1.000000e+00 : f32
      %sub3A_180 = vector.broadcast %sub3A_179 : f32 to vector<16xf32>
      %sub3A_181 = arith.subf %bitcast3A_178, %sub3A_180 : vector<16xf32>
      %add3A_182 = arith.constant 1.000000e+00 : f32
      %add3A_183 = vector.broadcast %add3A_182 : f32 to vector<16xf32>
      %add3A_184 = arith.addf %bitcast3A_178, %add3A_183 : vector<16xf32>
      %div3A = arith.divf %sub3A_181, %add3A_184 : vector<16xf32>
      %mul3A_185 = arith.mulf %div3A, %div3A : vector<16xf32>
      %mul3A_186 = arith.constant 2.000000e+00 : f32
      %mul3A_187 = vector.broadcast %mul3A_186 : f32 to vector<16xf32>
      %mul3A_188 = arith.mulf %mul3A_187, %div3A : vector<16xf32>
      %mul3A_189 = arith.constant 0.142857149 : f32
      %mul3A_190 = vector.broadcast %mul3A_189 : f32 to vector<16xf32>
      %mul3A_191 = arith.mulf %mul3A_185, %mul3A_190 : vector<16xf32>
      %add3A_192 = arith.constant 2.000000e-01 : f32
      %add3A_193 = vector.broadcast %add3A_192 : f32 to vector<16xf32>
      %add3A_194 = arith.addf %add3A_193, %mul3A_191 : vector<16xf32>
      %mul3A_195 = arith.mulf %mul3A_185, %add3A_194 : vector<16xf32>
      %add3A_196 = arith.constant 0.333333343 : f32
      %add3A_197 = vector.broadcast %add3A_196 : f32 to vector<16xf32>
      %add3A_198 = arith.addf %add3A_197, %mul3A_195 : vector<16xf32>
      %mul3A_199 = arith.mulf %mul3A_185, %add3A_198 : vector<16xf32>
      %add3A_200 = arith.constant 1.000000e+00 : f32
      %add3A_201 = vector.broadcast %add3A_200 : f32 to vector<16xf32>
      %add3A_202 = arith.addf %add3A_201, %mul3A_199 : vector<16xf32>
      %mul3A_203 = arith.mulf %mul3A_188, %add3A_202 : vector<16xf32>
      %mul3A_204 = arith.constant 0.693147182 : f32
      %mul3A_205 = vector.broadcast %mul3A_204 : f32 to vector<16xf32>
      %mul3A_206 = arith.mulf %convert_element_type3A, %mul3A_205 : vector<16xf32>
      %add3A_207 = arith.addf %mul3A_206, %mul3A_203 : vector<16xf32>
      %sub3A_208 = arith.subf %add3A_207, %gather3A_167 : vector<16xf32>
      %add3A_209 = arith.addf %sub3A_208, %gather3A_168 : vector<16xf32>
      %mul3A_210 = arith.constant 16 : i32
      %mul3A_211 = arith.muli %scan3A_71, %mul3A_210 : i32
      %add3A_212 = arith.constant 512 : i32
      %add3A_213 = arith.addi %add3A_212, %mul3A_211 : i32
      %swap3A = arith.index_cast %add3A_213 : i32 to index
      %swap3A_214 = tpu.vector_load %arg9[%swap3A] {strides = array<i32>} : memref<1024xf32, #tpu.memory_space<vmem>>, vector<16xf32>,
      tpu.vector_store %arg9[%swap3A], %add3A_209 {strides = array<i32>} : memref<1024xf32, #tpu.memory_space<vmem>>, vector<16xf32>,
    }
    %scan3A_60 = arith.constant 16 : i32
    %dma_wait3A_61 = arith.constant 0 : i32
    %dma_wait3A_62 = tpu.memref_slice %arg2[%dma_wait3A_61] : memref<3276800xf32, #tpu.memory_space<hbm>> -> memref<25600xf32, #tpu.memory_space<hbm>>
    %dma_wait3A_63 = arith.constant 0 : i32
    %dma_wait3A_64 = tpu.memref_slice %arg2[%dma_wait3A_63] : memref<3276800xf32, #tpu.memory_space<hbm>> -> memref<25600xf32, #tpu.memory_space<hbm>>
    tpu.wait_dma2 semaphore(%arg13 : memref<!tpu.dma_semaphore, #tpu.memory_space<semaphore_mem>>) src(%dma_wait3A_64 : memref<25600xf32, #tpu.memory_space<hbm>>) dst(%arg7 : memref<25600xf32, #tpu.memory_space<vmem>>)
    %scan3A_65 = arith.constant 0 : i32
    %scan3A_66 = arith.constant 0 : i32
    %scan3A_67 = arith.constant 16 : i32
    %scan3A_68 = arith.addi %scan3A_66, %scan3A_67 : i32
    %scan3A_69 = arith.constant 1 : i32
    scf.for %scan3A_71 = %scan3A_66 to %scan3A_68 step %scan3A_69  : i32 {
      %mul3A_72 = arith.constant 16 : i32
      %mul3A_73 = arith.muli %scan3A_71, %mul3A_72 : i32
      %add3A_74 = arith.constant 768 : i32
      %add3A_75 = arith.addi %add3A_74, %mul3A_73 : i32
      %get3A = arith.index_cast %add3A_75 : i32 to index
      %get3A_76 = tpu.vector_load %arg8[%get3A] {strides = array<i32>} : memref<1024xf32, #tpu.memory_space<vmem>>, vector<16xf32>,
      %broadcast_in_dim3A = arith.constant 0 : i32
      %broadcast_in_dim3A_77 = vector.broadcast %broadcast_in_dim3A : i32 to vector<16xi32>
      %add3A_78 = arith.constant 49 : i32
      %add3A_79 = vector.broadcast %add3A_78 : i32 to vector<16xi32>
      %add3A_80 = arith.addi %broadcast_in_dim3A_77, %add3A_79 : vector<16xi32>
      %gather3A = tpu.vector_load_idx %arg10[%add3A_80] : memref<101xf32, #tpu.memory_space<vmem>>[vector<16xi32>], vector<16xf32>,
      %lt3A = arith.cmpf olt, %gather3A, %get3A_76 : vector<16xf32>
      %add3A_81 = arith.constant 50 : i32
      %add3A_82 = vector.broadcast %add3A_81 : i32 to vector<16xi32>
      %add3A_83 = arith.addi %broadcast_in_dim3A_77, %add3A_82 : vector<16xi32>
      %select_n3A = arith.select %lt3A, %add3A_83, %broadcast_in_dim3A_77 : vector<16xi1>, vector<16xi32>
      %add3A_84 = arith.constant 24 : i32
      %add3A_85 = vector.broadcast %add3A_84 : i32 to vector<16xi32>
      %add3A_86 = arith.addi %select_n3A, %add3A_85 : vector<16xi32>
      %gather3A_87 = tpu.vector_load_idx %arg10[%add3A_86] : memref<101xf32, #tpu.memory_space<vmem>>[vector<16xi32>], vector<16xf32>,
      %lt3A_88 = arith.cmpf olt, %gather3A_87, %get3A_76 : vector<16xf32>
      %add3A_89 = arith.constant 25 : i32
      %add3A_90 = vector.broadcast %add3A_89 : i32 to vector<16xi32>
      %add3A_91 = arith.addi %select_n3A, %add3A_90 : vector<16xi32>
      %select_n3A_92 = arith.select %lt3A_88, %add3A_91, %select_n3A : vector<16xi1>, vector<16xi32>
      %add3A_93 = arith.constant 12 : i32
      %add3A_94 = vector.broadcast %add3A_93 : i32 to vector<16xi32>
      %add3A_95 = arith.addi %select_n3A_92, %add3A_94 : vector<16xi32>
      %gather3A_96 = tpu.vector_load_idx %arg10[%add3A_95] : memref<101xf32, #tpu.memory_space<vmem>>[vector<16xi32>], vector<16xf32>,
      %lt3A_97 = arith.cmpf olt, %gather3A_96, %get3A_76 : vector<16xf32>
      %add3A_98 = arith.constant 13 : i32
      %add3A_99 = vector.broadcast %add3A_98 : i32 to vector<16xi32>
      %add3A_100 = arith.addi %select_n3A_92, %add3A_99 : vector<16xi32>
      %select_n3A_101 = arith.select %lt3A_97, %add3A_100, %select_n3A_92 : vector<16xi1>, vector<16xi32>
      %add3A_102 = arith.constant 5 : i32
      %add3A_103 = vector.broadcast %add3A_102 : i32 to vector<16xi32>
      %add3A_104 = arith.addi %select_n3A_101, %add3A_103 : vector<16xi32>
      %gather3A_105 = tpu.vector_load_idx %arg10[%add3A_104] : memref<101xf32, #tpu.memory_space<vmem>>[vector<16xi32>], vector<16xf32>,
      %lt3A_106 = arith.cmpf olt, %gather3A_105, %get3A_76 : vector<16xf32>
      %add3A_107 = arith.constant 6 : i32
      %add3A_108 = vector.broadcast %add3A_107 : i32 to vector<16xi32>
      %add3A_109 = arith.addi %select_n3A_101, %add3A_108 : vector<16xi32>
      %select_n3A_110 = arith.select %lt3A_106, %add3A_109, %select_n3A_101 : vector<16xi1>, vector<16xi32>
      %add3A_111 = arith.constant 2 : i32
      %add3A_112 = vector.broadcast %add3A_111 : i32 to vector<16xi32>
      %add3A_113 = arith.addi %select_n3A_110, %add3A_112 : vector<16xi32>
      %gather3A_114 = tpu.vector_load_idx %arg10[%add3A_113] : memref<101xf32, #tpu.memory_space<vmem>>[vector<16xi32>], vector<16xf32>,
      %lt3A_115 = arith.cmpf olt, %gather3A_114, %get3A_76 : vector<16xf32>
      %add3A_116 = arith.constant 3 : i32
      %add3A_117 = vector.broadcast %add3A_116 : i32 to vector<16xi32>
      %add3A_118 = arith.addi %select_n3A_110, %add3A_117 : vector<16xi32>
      %select_n3A_119 = arith.select %lt3A_115, %add3A_118, %select_n3A_110 : vector<16xi1>, vector<16xi32>
      %add3A_120 = arith.constant 1 : i32
      %add3A_121 = vector.broadcast %add3A_120 : i32 to vector<16xi32>
      %add3A_122 = arith.addi %select_n3A_119, %add3A_121 : vector<16xi32>
      %gather3A_123 = tpu.vector_load_idx %arg10[%add3A_122] : memref<101xf32, #tpu.memory_space<vmem>>[vector<16xi32>], vector<16xf32>,
      %lt3A_124 = arith.cmpf olt, %gather3A_123, %get3A_76 : vector<16xf32>
      %add3A_125 = arith.constant 2 : i32
      %add3A_126 = vector.broadcast %add3A_125 : i32 to vector<16xi32>
      %add3A_127 = arith.addi %select_n3A_119, %add3A_126 : vector<16xi32>
      %select_n3A_128 = arith.select %lt3A_124, %add3A_127, %select_n3A_119 : vector<16xi1>, vector<16xi32>
      %add3A_129 = arith.constant 0 : i32
      %add3A_130 = vector.broadcast %add3A_129 : i32 to vector<16xi32>
      %add3A_131 = arith.addi %select_n3A_128, %add3A_130 : vector<16xi32>
      %gather3A_132 = tpu.vector_load_idx %arg10[%add3A_131] : memref<101xf32, #tpu.memory_space<vmem>>[vector<16xi32>], vector<16xf32>,
      %lt3A_133 = arith.cmpf olt, %gather3A_132, %get3A_76 : vector<16xf32>
      %add3A_134 = arith.constant 1 : i32
      %add3A_135 = vector.broadcast %add3A_134 : i32 to vector<16xi32>
      %add3A_136 = arith.addi %select_n3A_128, %add3A_135 : vector<16xi32>
      %select_n3A_137 = arith.select %lt3A_133, %add3A_136, %select_n3A_128 : vector<16xi1>, vector<16xi32>
      %gather3A_138 = tpu.vector_load_idx %arg10[%select_n3A_137] : memref<101xf32, #tpu.memory_space<vmem>>[vector<16xi32>], vector<16xf32>,
      %lt3A_139 = arith.cmpf olt, %gather3A_138, %get3A_76 : vector<16xf32>
      %jit3A = arith.constant 1 : i32
      %jit3A_140 = arith.constant 0 : i32
      %broadcast_in_dim3A_141 = vector.broadcast %jit3A : i32 to vector<16xi32>
      %broadcast_in_dim3A_142 = vector.broadcast %jit3A_140 : i32 to vector<16xi32>
      %select_n3A_143 = arith.select %lt3A_139, %broadcast_in_dim3A_141, %broadcast_in_dim3A_142 : vector<16xi1>, vector<16xi32>
      %add3A_144 = arith.addi %select_n3A_137, %select_n3A_143 : vector<16xi32>
      %sub3A = arith.constant 1 : i32
      %sub3A_145 = vector.broadcast %sub3A : i32 to vector<16xi32>
      %sub3A_146 = arith.subi %add3A_144, %sub3A_145 : vector<16xi32>
      %jit3A_147 = arith.constant 0 : i32
      %jit3A_148 = arith.constant 99 : i32
      %max3A = vector.broadcast %jit3A_147 : i32 to vector<16xi32>
      %max3A_149 = arith.maxsi %max3A, %sub3A_146 : vector<16xi32>
      %min3A = vector.broadcast %jit3A_148 : i32 to vector<16xi32>
      %min3A_150 = arith.minsi %min3A, %max3A_149 : vector<16xi32>
      %broadcast_in_dim3A_151 = arith.constant 0.000000e+00 : f32
      %broadcast_in_dim3A_152 = vector.broadcast %broadcast_in_dim3A_151 : f32 to vector<16xf32>
      %scan3A_153 = arith.constant 0 : i32
      %scan3A_154 = arith.constant 100 : i32
      %scan3A_155 = arith.addi %scan3A_153, %scan3A_154 : i32
      %scan3A_156 = arith.constant 10 : i32
      %scan3A_157 = scf.for %scan3A_215 = %scan3A_153 to %scan3A_155 step %scan3A_156 iter_args(%scan3A_216 = %broadcast_in_dim3A_152) -> (vector<16xf32>)  : i32 {
        %mul3A_217 = arith.constant 256 : i32
        %mul3A_218 = arith.muli %scan3A_215, %mul3A_217 : i32
        %mul3A_219 = arith.constant 16 : i32
        %mul3A_220 = arith.muli %scan3A_71, %mul3A_219 : i32
        %add3A_221 = arith.addi %mul3A_218, %mul3A_220 : i32
        %get3A_222 = arith.index_cast %add3A_221 : i32 to index
        %get3A_223 = tpu.vector_load %arg7[%get3A_222] {strides = array<i32>} : memref<25600xf32, #tpu.memory_space<vmem>>, vector<16xf32>,
        %exp3A = math.exp %get3A_223 : vector<16xf32>
        %add3A_224 = arith.addf %scan3A_216, %exp3A : vector<16xf32>
        %scan3A_225 = arith.constant 1 : i32
        %scan3A_226 = arith.addi %scan3A_215, %scan3A_225 : i32
        %mul3A_227 = arith.constant 256 : i32
        %mul3A_228 = arith.muli %scan3A_226, %mul3A_227 : i32
        %mul3A_229 = arith.constant 16 : i32
        %mul3A_230 = arith.muli %scan3A_71, %mul3A_229 : i32
        %add3A_231 = arith.addi %mul3A_228, %mul3A_230 : i32
        %get3A_232 = arith.index_cast %add3A_231 : i32 to index
        %get3A_233 = tpu.vector_load %arg7[%get3A_232] {strides = array<i32>} : memref<25600xf32, #tpu.memory_space<vmem>>, vector<16xf32>,
        %exp3A_234 = math.exp %get3A_233 : vector<16xf32>
        %add3A_235 = arith.addf %add3A_224, %exp3A_234 : vector<16xf32>
        %scan3A_236 = arith.constant 2 : i32
        %scan3A_237 = arith.addi %scan3A_215, %scan3A_236 : i32
        %mul3A_238 = arith.constant 256 : i32
        %mul3A_239 = arith.muli %scan3A_237, %mul3A_238 : i32
        %mul3A_240 = arith.constant 16 : i32
        %mul3A_241 = arith.muli %scan3A_71, %mul3A_240 : i32
        %add3A_242 = arith.addi %mul3A_239, %mul3A_241 : i32
        %get3A_243 = arith.index_cast %add3A_242 : i32 to index
        %get3A_244 = tpu.vector_load %arg7[%get3A_243] {strides = array<i32>} : memref<25600xf32, #tpu.memory_space<vmem>>, vector<16xf32>,
        %exp3A_245 = math.exp %get3A_244 : vector<16xf32>
        %add3A_246 = arith.addf %add3A_235, %exp3A_245 : vector<16xf32>
        %scan3A_247 = arith.constant 3 : i32
        %scan3A_248 = arith.addi %scan3A_215, %scan3A_247 : i32
        %mul3A_249 = arith.constant 256 : i32
        %mul3A_250 = arith.muli %scan3A_248, %mul3A_249 : i32
        %mul3A_251 = arith.constant 16 : i32
        %mul3A_252 = arith.muli %scan3A_71, %mul3A_251 : i32
        %add3A_253 = arith.addi %mul3A_250, %mul3A_252 : i32
        %get3A_254 = arith.index_cast %add3A_253 : i32 to index
        %get3A_255 = tpu.vector_load %arg7[%get3A_254] {strides = array<i32>} : memref<25600xf32, #tpu.memory_space<vmem>>, vector<16xf32>,
        %exp3A_256 = math.exp %get3A_255 : vector<16xf32>
        %add3A_257 = arith.addf %add3A_246, %exp3A_256 : vector<16xf32>
        %scan3A_258 = arith.constant 4 : i32
        %scan3A_259 = arith.addi %scan3A_215, %scan3A_258 : i32
        %mul3A_260 = arith.constant 256 : i32
        %mul3A_261 = arith.muli %scan3A_259, %mul3A_260 : i32
        %mul3A_262 = arith.constant 16 : i32
        %mul3A_263 = arith.muli %scan3A_71, %mul3A_262 : i32
        %add3A_264 = arith.addi %mul3A_261, %mul3A_263 : i32
        %get3A_265 = arith.index_cast %add3A_264 : i32 to index
        %get3A_266 = tpu.vector_load %arg7[%get3A_265] {strides = array<i32>} : memref<25600xf32, #tpu.memory_space<vmem>>, vector<16xf32>,
        %exp3A_267 = math.exp %get3A_266 : vector<16xf32>
        %add3A_268 = arith.addf %add3A_257, %exp3A_267 : vector<16xf32>
        %scan3A_269 = arith.constant 5 : i32
        %scan3A_270 = arith.addi %scan3A_215, %scan3A_269 : i32
        %mul3A_271 = arith.constant 256 : i32
        %mul3A_272 = arith.muli %scan3A_270, %mul3A_271 : i32
        %mul3A_273 = arith.constant 16 : i32
        %mul3A_274 = arith.muli %scan3A_71, %mul3A_273 : i32
        %add3A_275 = arith.addi %mul3A_272, %mul3A_274 : i32
        %get3A_276 = arith.index_cast %add3A_275 : i32 to index
        %get3A_277 = tpu.vector_load %arg7[%get3A_276] {strides = array<i32>} : memref<25600xf32, #tpu.memory_space<vmem>>, vector<16xf32>,
        %exp3A_278 = math.exp %get3A_277 : vector<16xf32>
        %add3A_279 = arith.addf %add3A_268, %exp3A_278 : vector<16xf32>
        %scan3A_280 = arith.constant 6 : i32
        %scan3A_281 = arith.addi %scan3A_215, %scan3A_280 : i32
        %mul3A_282 = arith.constant 256 : i32
        %mul3A_283 = arith.muli %scan3A_281, %mul3A_282 : i32
        %mul3A_284 = arith.constant 16 : i32
        %mul3A_285 = arith.muli %scan3A_71, %mul3A_284 : i32
        %add3A_286 = arith.addi %mul3A_283, %mul3A_285 : i32
        %get3A_287 = arith.index_cast %add3A_286 : i32 to index
        %get3A_288 = tpu.vector_load %arg7[%get3A_287] {strides = array<i32>} : memref<25600xf32, #tpu.memory_space<vmem>>, vector<16xf32>,
        %exp3A_289 = math.exp %get3A_288 : vector<16xf32>
        %add3A_290 = arith.addf %add3A_279, %exp3A_289 : vector<16xf32>
        %scan3A_291 = arith.constant 7 : i32
        %scan3A_292 = arith.addi %scan3A_215, %scan3A_291 : i32
        %mul3A_293 = arith.constant 256 : i32
        %mul3A_294 = arith.muli %scan3A_292, %mul3A_293 : i32
        %mul3A_295 = arith.constant 16 : i32
        %mul3A_296 = arith.muli %scan3A_71, %mul3A_295 : i32
        %add3A_297 = arith.addi %mul3A_294, %mul3A_296 : i32
        %get3A_298 = arith.index_cast %add3A_297 : i32 to index
        %get3A_299 = tpu.vector_load %arg7[%get3A_298] {strides = array<i32>} : memref<25600xf32, #tpu.memory_space<vmem>>, vector<16xf32>,
        %exp3A_300 = math.exp %get3A_299 : vector<16xf32>
        %add3A_301 = arith.addf %add3A_290, %exp3A_300 : vector<16xf32>
        %scan3A_302 = arith.constant 8 : i32
        %scan3A_303 = arith.addi %scan3A_215, %scan3A_302 : i32
        %mul3A_304 = arith.constant 256 : i32
        %mul3A_305 = arith.muli %scan3A_303, %mul3A_304 : i32
        %mul3A_306 = arith.constant 16 : i32
        %mul3A_307 = arith.muli %scan3A_71, %mul3A_306 : i32
        %add3A_308 = arith.addi %mul3A_305, %mul3A_307 : i32
        %get3A_309 = arith.index_cast %add3A_308 : i32 to index
        %get3A_310 = tpu.vector_load %arg7[%get3A_309] {strides = array<i32>} : memref<25600xf32, #tpu.memory_space<vmem>>, vector<16xf32>,
        %exp3A_311 = math.exp %get3A_310 : vector<16xf32>
        %add3A_312 = arith.addf %add3A_301, %exp3A_311 : vector<16xf32>
        %scan3A_313 = arith.constant 9 : i32
        %scan3A_314 = arith.addi %scan3A_215, %scan3A_313 : i32
        %mul3A_315 = arith.constant 256 : i32
        %mul3A_316 = arith.muli %scan3A_314, %mul3A_315 : i32
        %mul3A_317 = arith.constant 16 : i32
        %mul3A_318 = arith.muli %scan3A_71, %mul3A_317 : i32
        %add3A_319 = arith.addi %mul3A_316, %mul3A_318 : i32
        %get3A_320 = arith.index_cast %add3A_319 : i32 to index
        %get3A_321 = tpu.vector_load %arg7[%get3A_320] {strides = array<i32>} : memref<25600xf32, #tpu.memory_space<vmem>>, vector<16xf32>,
        %exp3A_322 = math.exp %get3A_321 : vector<16xf32>
        %add3A_323 = arith.addf %add3A_312, %exp3A_322 : vector<16xf32>
        scf.yield %add3A_323 : vector<16xf32>
      }
      %scan3A_158 = arith.constant 100 : i32
      %mul3A_159 = arith.constant 256 : i32
      %mul3A_160 = vector.broadcast %mul3A_159 : i32 to vector<16xi32>
      %mul3A_161 = arith.muli %min3A_150, %mul3A_160 : vector<16xi32>
      %mul3A_162 = arith.constant 16 : i32
      %mul3A_163 = arith.muli %scan3A_71, %mul3A_162 : i32
      %add3A_164 = vector.broadcast %mul3A_163 : i32 to vector<16xi32>
      %add3A_165 = arith.addi %mul3A_161, %add3A_164 : vector<16xi32>
      %add3A_166 = arith.addi %add3A_165, %iota3A : vector<16xi32>
      %gather3A_167 = tpu.vector_load_idx %arg7[%add3A_166] : memref<25600xf32, #tpu.memory_space<vmem>>[vector<16xi32>], vector<16xf32>,
      %gather3A_168 = tpu.vector_load_idx %arg11[%min3A_150] : memref<112xf32, #tpu.memory_space<vmem>>[vector<16xi32>], vector<16xf32>,
      %bitcast3A = vector.bitcast %scan3A_157 : vector<16xf32> to vector<16xi32>
      %shift_right_arithmetic3A = arith.constant 23 : i32
      %shift_right_arithmetic3A_169 = vector.broadcast %shift_right_arithmetic3A : i32 to vector<16xi32>
      %shift_right_arithmetic3A_170 = arith.shrsi %bitcast3A, %shift_right_arithmetic3A_169 : vector<16xi32>
      %sub3A_171 = arith.constant 127 : i32
      %sub3A_172 = vector.broadcast %sub3A_171 : i32 to vector<16xi32>
      %sub3A_173 = arith.subi %shift_right_arithmetic3A_170, %sub3A_172 : vector<16xi32>
      %convert_element_type3A = arith.sitofp %sub3A_173 : vector<16xi32> to vector<16xf32>
      %and3A = arith.constant 8388607 : i32
      %and3A_174 = vector.broadcast %and3A : i32 to vector<16xi32>
      %and3A_175 = arith.andi %bitcast3A, %and3A_174 : vector<16xi32>
      %or3A = arith.constant 1065353216 : i32
      %or3A_176 = vector.broadcast %or3A : i32 to vector<16xi32>
      %or3A_177 = arith.ori %and3A_175, %or3A_176 : vector<16xi32>
      %bitcast3A_178 = vector.bitcast %or3A_177 : vector<16xi32> to vector<16xf32>
      %sub3A_179 = arith.constant 1.000000e+00 : f32
      %sub3A_180 = vector.broadcast %sub3A_179 : f32 to vector<16xf32>
      %sub3A_181 = arith.subf %bitcast3A_178, %sub3A_180 : vector<16xf32>
      %add3A_182 = arith.constant 1.000000e+00 : f32
      %add3A_183 = vector.broadcast %add3A_182 : f32 to vector<16xf32>
      %add3A_184 = arith.addf %bitcast3A_178, %add3A_183 : vector<16xf32>
      %div3A = arith.divf %sub3A_181, %add3A_184 : vector<16xf32>
      %mul3A_185 = arith.mulf %div3A, %div3A : vector<16xf32>
      %mul3A_186 = arith.constant 2.000000e+00 : f32
      %mul3A_187 = vector.broadcast %mul3A_186 : f32 to vector<16xf32>
      %mul3A_188 = arith.mulf %mul3A_187, %div3A : vector<16xf32>
      %mul3A_189 = arith.constant 0.142857149 : f32
      %mul3A_190 = vector.broadcast %mul3A_189 : f32 to vector<16xf32>
      %mul3A_191 = arith.mulf %mul3A_185, %mul3A_190 : vector<16xf32>
      %add3A_192 = arith.constant 2.000000e-01 : f32
      %add3A_193 = vector.broadcast %add3A_192 : f32 to vector<16xf32>
      %add3A_194 = arith.addf %add3A_193, %mul3A_191 : vector<16xf32>
      %mul3A_195 = arith.mulf %mul3A_185, %add3A_194 : vector<16xf32>
      %add3A_196 = arith.constant 0.333333343 : f32
      %add3A_197 = vector.broadcast %add3A_196 : f32 to vector<16xf32>
      %add3A_198 = arith.addf %add3A_197, %mul3A_195 : vector<16xf32>
      %mul3A_199 = arith.mulf %mul3A_185, %add3A_198 : vector<16xf32>
      %add3A_200 = arith.constant 1.000000e+00 : f32
      %add3A_201 = vector.broadcast %add3A_200 : f32 to vector<16xf32>
      %add3A_202 = arith.addf %add3A_201, %mul3A_199 : vector<16xf32>
      %mul3A_203 = arith.mulf %mul3A_188, %add3A_202 : vector<16xf32>
      %mul3A_204 = arith.constant 0.693147182 : f32
      %mul3A_205 = vector.broadcast %mul3A_204 : f32 to vector<16xf32>
      %mul3A_206 = arith.mulf %convert_element_type3A, %mul3A_205 : vector<16xf32>
      %add3A_207 = arith.addf %mul3A_206, %mul3A_203 : vector<16xf32>
      %sub3A_208 = arith.subf %add3A_207, %gather3A_167 : vector<16xf32>
      %add3A_209 = arith.addf %sub3A_208, %gather3A_168 : vector<16xf32>
      %mul3A_210 = arith.constant 16 : i32
      %mul3A_211 = arith.muli %scan3A_71, %mul3A_210 : i32
      %add3A_212 = arith.constant 768 : i32
      %add3A_213 = arith.addi %add3A_212, %mul3A_211 : i32
      %swap3A = arith.index_cast %add3A_213 : i32 to index
      %swap3A_214 = tpu.vector_load %arg9[%swap3A] {strides = array<i32>} : memref<1024xf32, #tpu.memory_space<vmem>>, vector<16xf32>,
      tpu.vector_store %arg9[%swap3A], %add3A_209 {strides = array<i32>} : memref<1024xf32, #tpu.memory_space<vmem>>, vector<16xf32>,
    }
    %scan3A_70 = arith.constant 16 : i32
    "tpu.region"() ({
      %run_scoped3A = tpu.sem_alloc : memref<!tpu.dma_semaphore, #tpu.memory_space<semaphore_mem>>
      %dma_start3A = tpu.memref_slice %arg5[%mul3A_2] : memref<32768xf32, #tpu.memory_space<hbm>> -> memref<1024xf32, #tpu.memory_space<hbm>>
      %dma_start3A_71 = tpu.memref_slice %arg5[%mul3A_2] : memref<32768xf32, #tpu.memory_space<hbm>> -> memref<1024xf32, #tpu.memory_space<hbm>>
      tpu.enqueue_dma source(%arg9 : memref<1024xf32, #tpu.memory_space<vmem>>) target(%dma_start3A_71 : memref<1024xf32, #tpu.memory_space<hbm>>) target_semaphore(%run_scoped3A : memref<!tpu.dma_semaphore, #tpu.memory_space<semaphore_mem>>)
      %dma_wait3A_72 = tpu.memref_slice %arg5[%mul3A_2] : memref<32768xf32, #tpu.memory_space<hbm>> -> memref<1024xf32, #tpu.memory_space<hbm>>
      %dma_wait3A_73 = tpu.memref_slice %arg5[%mul3A_2] : memref<32768xf32, #tpu.memory_space<hbm>> -> memref<1024xf32, #tpu.memory_space<hbm>>
      tpu.wait_dma2 semaphore(%run_scoped3A : memref<!tpu.dma_semaphore, #tpu.memory_space<semaphore_mem>>) src(%arg9 : memref<1024xf32, #tpu.memory_space<vmem>>) dst(%dma_wait3A_73 : memref<1024xf32, #tpu.memory_space<hbm>>)
      tpu.yield
    }) : () -> ()
    return
  }
}

</mosaic_0001>

<sc_bundles>
// kernel: kernel.3.cloned.1.call-start
scs
__scs_entry_jumppad:
0x0: {  	(pc) =	sbr.rel $0x88, $3  }
0x1: {  	(tag) =	ssettag $0x0;
	lr =	simm.s32 $0x1  }
0x2: {  	[smem:$0x3F9E] =	sst lr;
	_ =	strace $0xD0000000  }
0x3: {  	_ = 	snop  }
0x4: {  	_ = 	snop  }
0x5: {  	_ = 	snop  }
0x6: {  	_ = 	snop  }
0x7: {  	_ = 	snop  }
__scs_overlays_trampoline_lowered:
0x8: {  	[smem:$0x3FAD] =	sst s0  }
0x9: {  	[smem:$0x3FAE] =	sst s1  }
0xa: {  	[smem:$0x3FAF] =	sst s2  }
0xb: {  	[smem:$0x3FB0] =	sst s3  }
0xc: {  	[smem:$0x3FB1] =	sst s4  }
0xd: {  	[smem:$0x3FB2] =	sst s5  }
0xe: {  	[smem:$0x3FB3] =	sst s6  }
0xf: {  	[smem:$0x3FB4] =	sst s7  }
0x10: {  	[smem:$0x3FB5] =	sst s8  }
0x11: {  	[smem:$0x3FB6] =	sst s9;
	s0 =	simm.s32 @!p0 $0x0  }
0x12: {  	s1 =	sld [smem:$0x3F9C];
	s0 =	simm.s32 @p0 $0x1  }
0x13: {  	[smem:$0x3FB7] =	sst s0;
	s0 =	simm.s32 @!p1 $0x0  }
0x14: {  	s2 =	sld [smem:$0x3F9B];
	s0 =	simm.s32 @p1 $0x1  }
0x15: {  	[smem:$0x3FB8] =	sst s0;
	s0 =	simm.s32 @!p2 $0x0  }
0x16: {  	s3 =	sld [smem:$0x3FDB];
	s0 =	simm.s32 @p2 $0x1  }
0x17: {  	s4 =	simm.s32 $0x1BF5;
	[smem:$0x3FBA] =	sst s0  }
0x18: {  	s0 =	sld [smem:$0x3F9D];
	_ =	swait.ge [sflag:s4], $0x0  }
0x19: {  	s7 =	sld [smem:$0x3F9E]  }
0x1a: {  	s8 =	sadd.s32 $0xFFFFE003, lr  }
0x1b: {  	s9 =	sadd.s32 $0xFFFFFEF7, lr;
	s5 =	simm.s32 $0xFFFFFFFF;
	p2 =	slt.u32 s8, $0xFFFFF086  }
0x1c: {  	p1 =	slt.u32 s9, $0xF7A;
	s5 =	simm.s32 @!p2 $0x0  }
0x1d: {  	s5 =	simm.s32 @p1 $0x1;
	p0 =	seq.s32 s7, s2  }
0x1e: {  	s7 =	smul.u32 @!p0 $0xF7A, s2;
	p2 =	seq.s32 @!p0 s5, $0x0  }
0x1f: {  	s9 =	smul.u32 $0xF7A, s1;
	s8 =	simm.s32 @!p0 $0x1BF5;
	p2 =	por !p2, p0  }
0x20: {  	[sflag:s8] =	ssyncset.s32 @!p0 $0xFFFFF086;
	s6 =	sadd.s32 @!p0 s3, s7;
	s7 =	simm.s32 @!p0 $0x108  }
0x21: {  	s3 =	sadd.s32 s3, s9;
	s6 =	sadd.s32 @!p0 $0x88, s6;
	s7 =	simm.s32 @p2 $0x1082  }
0x22: {  	[simem:s7], [sflag:s8] =	dma.local @!p0 [hbm:s6], $0xF7A  }
0x23: {  	s9 =	sor.u32 $0xD0000000, s2;
	s6 =	simm.s32 $0x108;
	_ =	swait.ge @!p0 [sflag:s8], $0x0  }
0x24: {  	s3 =	sadd.s32 $0x88, s3;
	s6 =	simm.s32 @!p1 $0x1082;
	[sflag:s4] =	ssyncset.s32 $0xFFFFF086  }
0x25: {  	[simem:s6], [sflag:s4] =	dma.local [hbm:s3], $0xF7A  }
0x26: {  	[smem:$0x3F9E] =	sst s1;
	(tag) =	ssettag s2;
	_ =	strace s9  }
0x27: {  	s1 =	sld [smem:$0x3FAE]  }
0x28: {  	s2 =	sld [smem:$0x3FAF]  }
0x29: {  	s4 =	sld [smem:$0x3FB1]  }
0x2a: {  	p0 =	seq.s32 s5, $0x0;
	s5 =	sld [smem:$0x3FB2]  }
0x2b: {  	s6 =	sld [smem:$0x3FB3]  }
0x2c: {  	s7 =	sld [smem:$0x3FB4]  }
0x2d: {  	s3 =	simm.s32 $0x108;
	s8 =	sld [smem:$0x3FB5]  }
0x2e: {  	s3 =	simm.s32 @!p0 $0x1082;
	s9 =	sld [smem:$0x3FB6]  }
0x2f: {  	lr =	sadd.s32 s0, s3;
	s0 =	sld [smem:$0x3FAD]  }
0x30: {  	s3 =	sld [smem:$0x3FB0]  }
0x31: {  	[smem:$0x3FB9] =	sst s10  }
0x32: {  	s10 =	sld [smem:$0x3FB7];
	_ =	sdelay $0x3  }
0x33: {  	p0 =	seq.s32 s10, $0x1;
	s10 =	sld [smem:$0x3FB9];
	_ =	sdelay $0x3  }
0x34: {  	[smem:$0x3FB9] =	sst s10  }
0x35: {  	s10 =	sld [smem:$0x3FB8];
	_ =	sdelay $0x3  }
0x36: {  	p1 =	seq.s32 s10, $0x1;
	s10 =	sld [smem:$0x3FB9];
	_ =	sdelay $0x3  }
0x37: {  	[smem:$0x3FB9] =	sst s10  }
0x38: {  	s10 =	sld [smem:$0x3FBA]  }
0x39: {  	_ = 	snop;
	(pc) =	sbr.ind lr, $3  }
0x3a: {  	_ = 	snop  }
0x3b: {  	_ = 	snop  }
0x3c: {  	p2 =	seq.s32 s10, $0x1;
	s10 =	sld [smem:$0x3FB9]  }
0x3d: {  	_ =	shalt  }
0x3e: {  	_ =	shalt  }
0x3f: {  	_ =	shalt  }
0x40: {  	_ =	shalt  }
0x41: {  	_ =	shalt  }
0x42: {  	_ =	shalt  }
0x43: {  	_ =	shalt  }
0x44: {  	_ =	shalt  }
0x45: {  	_ =	shalt  }
0x46: {  	_ =	shalt  }
0x47: {  	_ =	shalt  }
0x48: {  	_ =	shalt  }
0x49: {  	_ =	shalt  }
0x4a: {  	_ =	shalt  }
0x4b: {  	_ =	shalt  }
0x4c: {  	_ =	shalt  }
0x4d: {  	_ =	shalt  }
0x4e: {  	_ =	shalt  }
0x4f: {  	_ =	shalt  }
0x50: {  	_ =	shalt  }
0x51: {  	_ =	shalt  }
0x52: {  	_ =	shalt  }
0x53: {  	_ =	shalt  }
0x54: {  	_ =	shalt  }
0x55: {  	_ =	shalt  }
0x56: {  	_ =	shalt  }
0x57: {  	_ =	shalt  }
0x58: {  	_ =	shalt  }
0x59: {  	_ =	shalt  }
0x5a: {  	_ =	shalt  }
0x5b: {  	_ =	shalt  }
0x5c: {  	_ =	shalt  }
0x5d: {  	_ =	shalt  }
0x5e: {  	_ =	shalt  }
0x5f: {  	_ =	shalt  }
0x60: {  	_ =	shalt  }
0x61: {  	_ =	shalt  }
0x62: {  	_ =	shalt  }
0x63: {  	_ =	shalt  }
0x64: {  	_ =	shalt  }
0x65: {  	_ =	shalt  }
0x66: {  	_ =	shalt  }
0x67: {  	_ =	shalt  }
0x68: {  	_ =	shalt  }
0x69: {  	_ =	shalt  }
0x6a: {  	_ =	shalt  }
0x6b: {  	_ =	shalt  }
0x6c: {  	_ =	shalt  }
0x6d: {  	_ =	shalt  }
0x6e: {  	_ =	shalt  }
0x6f: {  	_ =	shalt  }
0x70: {  	_ =	shalt  }
0x71: {  	_ =	shalt  }
0x72: {  	_ =	shalt  }
0x73: {  	_ =	shalt  }
0x74: {  	_ =	shalt  }
0x75: {  	_ =	shalt  }
0x76: {  	_ =	shalt  }
0x77: {  	_ =	shalt  }
0x78: {  	_ =	shalt  }
0x79: {  	_ =	shalt  }
0x7a: {  	_ =	shalt  }
0x7b: {  	_ =	shalt  }
0x7c: {  	_ =	shalt  }
0x7d: {  	_ =	shalt  }
0x7e: {  	_ =	shalt  }
0x7f: {  	_ =	shalt  }
0x80: {  	_ =	shalt  }
0x81: {  	_ =	shalt  }
0x82: {  	_ =	shalt  }
0x83: {  	_ =	shalt  }
0x84: {  	_ =	shalt  }
0x85: {  	_ =	shalt  }
0x86: {  	_ =	shalt  }
0x87: {  	_ =	shalt  }
.Lfunc_end0:
.L_simem_size_0:
called_computation_lowered:
.L_overlay_start_0:
0x88: {  	s2 =	sld [smem:$0x3FD9]  }
0x89: {  	s3 =	sld [smem:$0x3FFE];
	_ =	sdelay $0x1  }
0x8a: {  	s1 =	srdreg.scid  }
0x8b: {  	s0 =	sand.u32 $0x1, s1  }
0x8c: {  	s18 =	sshll.u32 s0, $0xA;
	s2 =	sadd.s32 s3, s2  }
0x8d: {  	s2 =	sadd.s32 s2, s18  }
0x8e: {  	[smem:$0x3FC5] =	sst s2  }
0x8f: {  	_ = 	snop  }
0x90: {  	s2 =	sld [smem:$0x3FC9]  }
0x91: {  	s19 =	sld [smem:$0x3FC8]  }
0x92: {  	s4 =	sld [smem:$0x3FC7]  }
0x93: {  	s5 =	sld [smem:$0x3FD0];
	(tm) =	ssettm $0x1  }
0x94: {  	s6 =	sld [smem:$0x3FFB];
	_ =	sdelay $0x3  }
0x95: {  	_ =	strace s6  }
0x96: {  	s6 =	sld [smem:$0x3FFC];
	_ =	sdelay $0x3  }
0x97: {  	_ =	strace s6  }
0x98: {  	s6 =	sld [smem:$0x3FFD];
	_ =	sdelay $0x3  }
0x99: {  	_ =	strace s6  }
0x9a: {  	_ =	strace $0x8FFFFFFF  }
0x9b: {  	s20 =	sld [smem:$0x3FDB];
	_ =	sdelay $0x1  }
0x9c: {  	s7 =	simm.s32 $_scs_section_size  }
0x9d: {  	s8 =	simm.s32 $_size__tile_overlayer_lowered;
	s9 =	simm.s32 $_tile_overlayer_lowered  }
0x9e: {  	s23 =	simm.s32 $0x1BFF;
	s22 =	sshll.u32 s9, $0x1;
	s6 =	sadd.s32 s7, s20  }
0x9f: {  	s10 =	simm.s32 $0x0;
	s21 =	sshll.u32 s8, $0x1;
	s8 =	sadd.s32 s22, s6  }
0xa0: {  	[timem:s10], [sflag:s23] =	dma.local [hbm:s8], s21  }
0xa1: {  	_ =	swait.ge [sflag:s23], s21  }
0xa2: {  	s7 =	ssub.s32 $0x0, s21;
	[sflag:s23] =	ssyncset.done $0x0  }
0xa3: {  	[sflag:s23] =	ssyncadd.s32 s7;
	_ =	sdelay $0x1  }
0xa4: {  	s24 =	simm.s32 $0x1B8B  }
0xa5: {  	_ =	swait.ge [sflag:s24], $0x1  }
0xa6: {  	[sflag:s24] =	ssyncset.done $0x0  }
0xa7: {  	s25 =	simm.s32 $0x1B8E;
	[sflag:s24] =	ssyncadd.s32 $0xFFFFFFFF  }
0xa8: {  	s26 =	simm.s32 $execute0_lowered;
	[smem:$0x3FD2] =	sst s25  }
0xa9: {  	s7 =	sshll.u32 s26, $0x1;
	_ =	strace $0x80000046;
	[dreg:$0x1] =	wrdreg $0xFFFFFFFF  }
0xaa: {  	s28 =	simm.s32 $_size_execute0_lowered;
	s6 =	sadd.s32 s6, s7;
	[dreg:$0x0] =	wrdreg $0x0  }
0xab: {  	s7 =	sshll.u32 s28, $0x1;
	[dreg:$0x2] =	wrdreg s6  }
0xac: {  	[dreg:$0x3] =	wrdreg s7  }
0xad: {  	[dreg:$0x4] =	wrdreg $0xC0  }
0xae: {  	_ =	task [dreg:s10], $0x5FFFF  }
0xaf: {  	[dreg:$0x1] =	wrdreg $0xFFFFFFFF  }
0xb0: {  	[dreg:$0x0] =	wrdreg $0x60  }
0xb1: {  	[dreg:$0x2] =	wrdreg s2  }
0xb2: {  	[dreg:$0x3] =	wrdreg s19  }
0xb3: {  	[dreg:$0x4] =	wrdreg s4  }
0xb4: {  	[dreg:$0x5] =	wrdreg s5  }
0xb5: {  	[dreg:$0x6] =	wrdreg $0x9  }
0xb6: {  	_ =	task.clear_ibuf [dreg:s10], $0x7FFFF;
	_ =	strace $0x90000046  }
0xb7: {  	s29 =	simm.s32 $0x9;
	_ =	strace $0x80000048  }
0xb8: {  	_ =	swait.ge [sflag:s29], $0x1  }
0xb9: {  	[sflag:s29] =	ssyncadd.s32 $0xFFFFFFFF  }
0xba: {  	_ =	strace $0x90000048  }
0xbb: {  	_ =	sfence  }
0xbc: {  	s30 =	sld [smem:$0x0];
	_ =	sdelay $0x2  }
0xbd: {  	s31 =	sshll.u32 s1, $0xD;
	s1 =	sshrl.u32 s1, $0x2  }
0xbe: {  	s3 =	sand.u32 $0x4000, s31;
	s1 =	sadd.s32 s1, s30  }
0xbf: {  	s0 =	sor.u32 s3, s0;
	s1 =	sshll.u32 s1, $0x11  }
0xc0: {  	s0 =	sor.u32 s1, s0  }
0xc1: {  	s0 =	sadd.s32 $0x8F2B, s0  }
0xc2: {  	[sflag:s0] =	ssyncadd.remote.s32 $0x1  }
0xc3: {  	_ =	sfence.sel $0xFFFF  }
0xc4: {  	[dreg:$0x0] =	wrdreg $0xFFFFFFFF;
	(pc) =	sbr.abs _section_cstart, $3  }
0xc5: {  	[dreg:$0x1] =	wrdreg $0xFFFFFFFF  }
0xc6: {  	_ =	task.clear_ibuf [dreg:s10], $0x2FFFF;
	_ =	strace $0x9FFFFFFF  }
0xc7: {  	(tm) =	ssettm $0x7FFFFFFF  }
tec
execute0_lowered:
.L_overlay_start_1:
0x0: {  	(tag) =	ssettag $0x1  }
0x1: {  	s0 =	rddreg [dreg:$0x0]  }
0x2: {  	s1 =	rddreg [dreg:$0x1]  }
0x3: {  	s2 =	srdreg.scid;
	s4 =	rddreg [dreg:$0x3]  }
0x4: {  	s3 =	stileid.u32;
	s28 =	simm.s32 $0xD080;
	s29 =	simm.s32 $0x2  }
0x5: {  	s30 =	simm.s32 $0x6400;
	s2 =	sand.u32 $0x1, s2;
	s5 =	sshll.u32 s3, $0xB  }
0x6: {  	s3 =	simm.s32 $0x0;
	s6 =	sshll.u32 s2, $0xA;
	s2 =	ssub.s32 $0x2, s2  }
0x7: {  	[smem:$0x7FF] =	sst s3;
	s5 =	sor.u32 s6, s5;
	s16 =	sshrl.u32 s2, $0x1  }
0x8: {  	_ =	strace $0x80000047;
	s10 =	sshrl.u32 s5, $0x3;
	s2 =	ssub.s32 s2, s16  }
0x9: {  	s19 =	sor.u32 $0x18000, s5;
	s20 =	sor.u32 $0x10000, s5;
	s1 =	sadd.s32 s1, s10  }
0xa: {  	s21 =	sor.u32 $0x8000, s5;
	s17 =	sadd.s32 s4, s10;
	[dreg:$0x5] =	wrdreg s1  }
0xb: {  	s18 =	smax.u32 s2, $0x1;
	s22 =	sshrl.u32 s20, $0x3;
	[dreg:$0x6] =	wrdreg s17  }
0xc: {  	s23 =	sshrl.u32 s21, $0x3;
	s10 =	sadd.s32 s10, s0;
	[dreg:$0x7] =	wrdreg s18  }
0xd: {  	s1 =	sshrl.u32 s19, $0x3;
	s8 =	sadd.s32 s22, s0;
	s9 =	sadd.s32 s23, s0  }
0xe: {  	s26 =	sadd.s32 $0x20, s10;
	s18 =	sadd.s32 $0x40, s10;
	s22 =	sadd.s32 $0x60, s10  }
0xf: {  	s23 =	simm.s32 $0xD000;
	s7 =	sadd.s32 s1, s0;
	s24 =	sadd.s32 $0x20, s8  }
0x10: {  	s25 =	sadd.s32 $0x20, s9;
	[dreg:$0xa] =	wrdreg s26;
	s31 =	sadd.s32 $0x40, s8  }
0x11: {  	s17 =	sadd.s32 $0x40, s9;
	s20 =	sadd.s32 $0x60, s8;
	s21 =	sadd.s32 $0x60, s9  }
0x12: {  	s26 =	simm.s32 $0x1;
	s0 =	simm.s32 $0x0;
	[dreg:$0x8] =	wrdreg s24  }
0x13: {  	v0 =	vlaneseq.u32;
	s11 =	sadd.s32 $0x20, s7;
	[dreg:$0x9] =	wrdreg s25;
	s15 =	sadd.s32 $0x40, s7  }
0x14: {  	v2 =	vimm.s32 $0x31;
	v3 =	vimm.s32 $0x0;
	v1 =	vadd.s32 $0x1, v0;
	[dreg:$0xb] =	wrdreg s31;
	s19 =	sadd.s32 $0x60, s7;
	s24 =	simm.s32 $0x3  }
.LBB2_1:
0x15: {  	s1 =	simm.s32 $0x0;
	s31 =	simm.s32 $0x100  }
0x16: {  	[tilespmem:s1], [sflag:$0x1] =	stream.linear.gather [hbm4b:s10+s3], $0x100, $0x38;
	[tilespmem:$0xD100] =	vst v63  }
0x17: {  	s2 =	simm.s32 $0x200;
	s4 =	sadd.s32 $0x4000, s9;
	s5 =	sadd.s32 $0x4000, s10  }
0x18: {  	[tilespmem:s31], [sflag:$0x1] =	stream.linear.gather [hbm4b:s9+s3], $0x100, $0x38;
	[tilespmem:$0xD100] =	vst v63  }
0x19: {  	s6 =	simm.s32 $0x700;
	s12 =	sadd.s32 $0x4000, s7;
	s13 =	sadd.s32 $0x4000, s8  }
0x1a: {  	[tilespmem:s2], [sflag:$0x1] =	stream.linear.gather [hbm4b:s8+s3], $0x100, $0x38;
	[tilespmem:$0xD100] =	vst v63  }
0x1b: {  	s14 =	smov.u32 s7;
	s1 =	simm.s32 $0x300;
	s2 =	simm.s32 $0x0  }
.LBB2_2:
0x1c: {  	[tilespmem:s1], [sflag:$0x1] =	stream.linear.gather [hbm4b:s14+s3], $0x100, $0x38;
	[tilespmem:$0xD100] =	vst v63  }
0x1d: {  	s1 =	smov.u32 s6;
	s14 =	smov.u32 s12;
	s2 =	sadd.s32 $0x4, s2  }
0x1e: {  	s25 =	sadd.s32 $0xFFFFFD00, s6;
	p0 =	slt.u32 s2, $0x60  }
0x1f: {  	[tilespmem:s25], [sflag:$0x1] =	stream.linear.gather [hbm4b:s5+s3], $0x100, $0x38;
	[tilespmem:$0xD100] =	vst v63  }
.Ltmp0:
0x20: {  	s25 =	sadd.s32 $0xFFFFFE00, s6;
	(pc) =	sbr.rel @p0 .LBB2_2-.Ltmp0, $4  }
0x21: {  	[tilespmem:s25], [sflag:$0x1] =	stream.linear.gather [hbm4b:s4+s3], $0x100, $0x38;
	[tilespmem:$0xD100] =	vst v63  }
0x22: {  	s5 =	sadd.s32 $0x4000, s5;
	s25 =	sadd.s32 $0xFFFFFF00, s6;
	s4 =	sadd.s32 $0x4000, s4  }
0x23: {  	[tilespmem:s25], [sflag:$0x1] =	stream.linear.gather [hbm4b:s13+s3], $0x100, $0x38;
	[tilespmem:$0xD100] =	vst v63  }
0x24: {  	s12 =	sadd.s32 $0x4000, s12;
	s6 =	sadd.s32 $0x400, s6;
	s13 =	sadd.s32 $0x4000, s13  }
0x25: {  	[tilespmem:s1], [sflag:$0x1] =	stream.linear.gather [hbm4b:s14+s3], $0x100, $0x38;
	[tilespmem:$0xD100] =	vst v63  }
0x26: {  	s4 =	rddreg [dreg:$0x2]  }
0x27: {  	[tilespmem:s23], [sflag:$0x3] =	stream.linear.gather [hbm4b:s4+s3], $0x80, $0x38;
	[tilespmem:$0xD100] =	vst v63  }
0x28: {  	_ =	swait.ge [sflag:s24], $0x80  }
0x29: {  	[sflag:s24] =	ssyncset.done $0x0  }
0x2a: {  	s2 =	simm.s32 $0xC800;
	s5 =	rddreg [dreg:$0x5];
	[sflag:s24] =	ssyncadd.s32 $0xFFFFFF80  }
0x2b: {  	[tilespmem:s2], [sflag:$0x3] =	stream.linear.gather [hbm4b:s5+s3], $0x400, $0x38;
	[tilespmem:$0xD100] =	vst v63  }
0x2c: {  	s6 =	simm.s32 $0x6400;
	s13 =	simm.s32 $0x6500;
	_ =	swait.ge [sflag:s24], $0x400  }
0x2d: {  	s14 =	simm.s32 $0x6600;
	s31 =	smov.u32 s11;
	[sflag:s24] =	ssyncset.done $0x0  }
0x2e: {  	s2 =	simm.s32 $0x0;
	s12 =	rddreg [dreg:$0xa];
	[sflag:s24] =	ssyncadd.s32 $0xFFFFFC00  }
0x2f: {  	[tilespmem:s6], [sflag:$0x2] =	stream.linear.gather [hbm4b:s12+s2], $0x100, $0x38;
	[tilespmem:$0xD100] =	vst v63  }
0x30: {  	s4 =	simm.s32 $0x6700;
	s5 =	simm.s32 $0x0;
	s6 =	rddreg [dreg:$0x9]  }
0x31: {  	[tilespmem:s13], [sflag:$0x2] =	stream.linear.gather [hbm4b:s6+s2], $0x100, $0x38;
	[tilespmem:$0xD100] =	vst v63  }
0x32: {  	s16 =	rddreg [dreg:$0x8];
	s25 =	sadd.s32 $0x4000, s12;
	s12 =	simm.s32 $0x6B00  }
0x33: {  	[tilespmem:s14], [sflag:$0x2] =	stream.linear.gather [hbm4b:s16+s2], $0x100, $0x38;
	[tilespmem:$0xD100] =	vst v63  }
0x34: {  	s6 =	sadd.s32 $0x4000, s6;
	s13 =	sadd.s32 $0x4000, s11;
	s14 =	sadd.s32 $0x4000, s16  }
.LBB2_4:
0x35: {  	[tilespmem:s4], [sflag:$0x2] =	stream.linear.gather [hbm4b:s31+s2], $0x100, $0x38;
	[tilespmem:$0xD100] =	vst v63  }
0x36: {  	s5 =	sadd.s32 $0x4, s5;
	s4 =	smov.u32 s12;
	s31 =	smov.u32 s13  }
0x37: {  	s1 =	sadd.s32 $0xFFFFFD00, s12;
	p0 =	slt.u32 s5, $0x60  }
0x38: {  	[tilespmem:s1], [sflag:$0x2] =	stream.linear.gather [hbm4b:s25+s2], $0x100, $0x38;
	[tilespmem:$0xD100] =	vst v63  }
.Ltmp1:
0x39: {  	s16 =	sadd.s32 $0xFFFFFE00, s12;
	s1 =	simm.s32 $0xD080;
	(pc) =	sbr.rel @p0 .LBB2_4-.Ltmp1, $4  }
0x3a: {  	[tilespmem:s16], [sflag:$0x2] =	stream.linear.gather [hbm4b:s6+s2], $0x100, $0x38;
	[tilespmem:$0xD100] =	vst v63  }
0x3b: {  	s25 =	sadd.s32 $0x4000, s25;
	s16 =	sadd.s32 $0xFFFFFF00, s12;
	s6 =	sadd.s32 $0x4000, s6  }
0x3c: {  	[tilespmem:s16], [sflag:$0x2] =	stream.linear.gather [hbm4b:s14+s2], $0x100, $0x38;
	[tilespmem:$0xD100] =	vst v63  }
0x3d: {  	s13 =	sadd.s32 $0x4000, s13;
	s12 =	sadd.s32 $0x400, s12;
	s14 =	sadd.s32 $0x4000, s14  }
0x3e: {  	v4 =	vor.u32 s2, v0  }
0x3f: {  	v5 =	vadd.s32 s2, v1;
	vm0 =	vlt.s32 v4, $0x64  }
0x40: {  	vm1 =	vlt.s32 v5, $0x64;
	v4 =	vnsel vm0, $0x64, v4  }
0x41: {  	v5 =	vnsel vm1, $0x64, v5;
	_ =	sdelay $0x2  }
0x42: {  	[tilespmem:s4], [sflag:$0x2] =	stream.linear.gather [hbm4b:s31+s2], $0x100, $0x38;
	[tilespmem:$0xD100] =	vst v63  }
0x43: {  	v4 =	vld.idx.msk [tilespmem:v4+s23+$0x0], $0xffff  }
0x44: {  	v5 =	vld.idx.msk [tilespmem:v5+s23+$0x0], $0xffff;
	_ =	sdelay $0x4  }
0x45: {  	v4 =	vsub.f32 v5, v4;
	_ =	sdelay $0x1  }
0x46: {  	v4 =	vmax.f32 v4, $1.000000000e-30  }
0x47: {  	v5 =	vand.u32 $0x7FFFFF, v4  }
0x48: {  	v5 =	vor.u32 $0x3F800000, v5  }
0x49: {  	v6 =	vadd.f32 $1.000000000e+00, v5;
	_ =	sdelay $0x1  }
0x4a: {  	(erf) = vrcp.f32 v6;
	_ =	sdelay $0x7  }
0x4b: {  	v5 =	vadd.f32 $-1.000000000e+00, v5  }
0x4c: {  	v6 =	vpop (erf)  }
0x4d: {  	v5 =	vmul.f32 v6, v5;
	_ =	sdelay $0x1  }
0x4e: {  	v6 =	vmul.f32 v5, v5;
	_ =	sdelay $0x1  }
0x4f: {  	v7 =	vmul.f32 $1.428571490e-01, v6;
	_ =	sdelay $0x1  }
0x50: {  	v7 =	vadd.f32 $2.000000030e-01, v7;
	_ =	sdelay $0x1  }
0x51: {  	v7 =	vmul.f32 v7, v6;
	_ =	sdelay $0x1  }
0x52: {  	v7 =	vadd.f32 $3.333333430e-01, v7  }
0x53: {  	v4 =	vshra.s32 v4, $0x17  }
0x54: {  	s25 =	simm.s32 $0x10;
	v4 =	vadd.s32 $0xFFFFFF81, v4;
	v6 =	vmul.f32 v7, v6  }
0x55: {  	v8 =	vadd.s32 s25, v1;
	v4 =	vcvt.s32.f32 v4  }
0x56: {  	v5 =	vadd.f32 v5, v5;
	v7 =	vor.u32 s25, v0;
	v6 =	vadd.f32 $1.000000000e+00, v6  }
0x57: {  	vm1 =	vlt.s32 v8, $0x64;
	vm0 =	vlt.s32 v7, $0x64  }
0x58: {  	v4 =	vmul.f32 $6.931471820e-01, v4;
	v7 =	vnsel vm0, $0x64, v7;
	v5 =	vmul.f32 v6, v5  }
0x59: {  	v6 =	vnsel vm1, $0x64, v8  }
0x5a: {  	v4 =	vadd.f32 v5, v4;
	_ =	sdelay $0x1  }
0x5b: {  	[tilespmem:s1+$0x0] =	vst v4  }
0x5c: {  	v4 =	vld.idx.msk [tilespmem:v7+s23+$0x0], $0xffff  }
0x5d: {  	v5 =	vld.idx.msk [tilespmem:v6+s23+$0x0], $0xffff;
	_ =	sdelay $0x4  }
0x5e: {  	v4 =	vsub.f32 v5, v4;
	_ =	sdelay $0x1  }
0x5f: {  	v4 =	vmax.f32 v4, $1.000000000e-30  }
0x60: {  	v5 =	vand.u32 $0x7FFFFF, v4  }
0x61: {  	v5 =	vor.u32 $0x3F800000, v5  }
0x62: {  	v6 =	vadd.f32 $1.000000000e+00, v5;
	_ =	sdelay $0x1  }
0x63: {  	(erf) = vrcp.f32 v6;
	_ =	sdelay $0x7  }
0x64: {  	v5 =	vadd.f32 $-1.000000000e+00, v5  }
0x65: {  	v6 =	vpop (erf)  }
0x66: {  	v7 =	vmul.f32 v6, v5;
	_ =	sdelay $0x1  }
0x67: {  	v5 =	vmul.f32 v7, v7;
	_ =	sdelay $0x1  }
0x68: {  	v6 =	vmul.f32 $1.428571490e-01, v5;
	_ =	sdelay $0x1  }
0x69: {  	v6 =	vadd.f32 $2.000000030e-01, v6;
	_ =	sdelay $0x1  }
0x6a: {  	v6 =	vmul.f32 v6, v5;
	_ =	sdelay $0x1  }
0x6b: {  	v6 =	vadd.f32 $3.333333430e-01, v6;
	_ =	sdelay $0x1  }
0x6c: {  	s31 =	simm.s32 $0x20;
	v4 =	vshra.s32 v4, $0x17;
	v8 =	vmul.f32 v6, v5  }
0x6d: {  	v7 =	vadd.f32 v7, v7;
	v5 =	vor.u32 s31, v0;
	v6 =	vadd.s32 $0xFFFFFF81, v4  }
0x6e: {  	v4 =	vadd.s32 s31, v1;
	v6 =	vcvt.s32.f32 v6;
	v8 =	vadd.f32 $1.000000000e+00, v8  }
0x6f: {  	s2 =	simm.s32 $0x30;
	vm1 =	vlt.s32 v5, $0x64;
	vm0 =	vlt.s32 v4, $0x64  }
.LBB2_6:
0x70: {  	p0 =	sne.s32 s2, $0x60;
	v5 =	vnsel vm1, $0x64, v5;
	v7 =	vmul.f32 v8, v7;
	v6 =	vmul.f32 $6.931471820e-01, v6  }
0x71: {  	v4 =	vnsel vm0, $0x64, v4  }
0x72: {  	v6 =	vadd.f32 v7, v6  }
0x73: {  	s1 =	sadd.s32 $0x10, s1  }
0x74: {  	[tilespmem:s1+$0x0] =	vst v6  }
0x75: {  	v5 =	vld.idx.msk [tilespmem:v5+s23+$0x0], $0xffff  }
0x76: {  	v4 =	vld.idx.msk [tilespmem:v4+s23+$0x0], $0xffff;
	_ =	sdelay $0x5  }
0x77: {  	v4 =	vsub.f32 v4, v5;
	_ =	sdelay $0x1  }
0x78: {  	v4 =	vmax.f32 v4, $1.000000000e-30  }
0x79: {  	v5 =	vand.u32 $0x7FFFFF, v4  }
0x7a: {  	v5 =	vor.u32 $0x3F800000, v5  }
0x7b: {  	v6 =	vadd.f32 $1.000000000e+00, v5;
	_ =	sdelay $0x1  }
0x7c: {  	(erf) = vrcp.f32 v6;
	_ =	sdelay $0x7  }
0x7d: {  	v5 =	vadd.f32 $-1.000000000e+00, v5  }
0x7e: {  	v6 =	vpop (erf)  }
0x7f: {  	v7 =	vmul.f32 v6, v5;
	_ =	sdelay $0x1  }
0x80: {  	v5 =	vmul.f32 v7, v7;
	_ =	sdelay $0x1  }
0x81: {  	v6 =	vmul.f32 $1.428571490e-01, v5;
	_ =	sdelay $0x1  }
0x82: {  	v6 =	vadd.f32 $2.000000030e-01, v6;
	_ =	sdelay $0x1  }
0x83: {  	v6 =	vmul.f32 v6, v5;
	_ =	sdelay $0x1  }
0x84: {  	v6 =	vadd.f32 $3.333333430e-01, v6  }
.Ltmp2:
0x85: {  	(pc) =	sbr.rel @p0 .LBB2_6-.Ltmp2, $4  }
0x86: {  	v8 =	vshra.s32 v4, $0x17;
	v9 =	vmul.f32 v6, v5  }
0x87: {  	v4 =	vadd.s32 s2, v1;
	v5 =	vor.u32 s2, v0;
	v6 =	vadd.s32 $0xFFFFFF81, v8  }
0x88: {  	v7 =	vadd.f32 v7, v7;
	v6 =	vcvt.s32.f32 v6;
	v8 =	vadd.f32 $1.000000000e+00, v9  }
0x89: {  	vm0 =	vlt.s32 v4, $0x64;
	s2 =	sadd.s32 $0x10, s2;
	vm1 =	vlt.s32 v5, $0x64  }
0x8a: {  	v5 =	vnsel vm1, $0x64, v5;
	v7 =	vmul.f32 v8, v7;
	v6 =	vmul.f32 $6.931471820e-01, v6  }
0x8b: {  	v4 =	vnsel vm0, $0x64, v4  }
0x8c: {  	v6 =	vadd.f32 v7, v6  }
0x8d: {  	s1 =	sadd.s32 $0x10, s1  }
0x8e: {  	[tilespmem:s1+$0x0] =	vst v6  }
0x8f: {  	v5 =	vld.idx.msk [tilespmem:v5+s23+$0x0], $0xffff  }
0x90: {  	v4 =	vld.idx.msk [tilespmem:v4+s23+$0x0], $0xffff;
	_ =	sdelay $0x4  }
0x91: {  	v4 =	vsub.f32 v4, v5;
	_ =	sdelay $0x1  }
0x92: {  	v4 =	vmax.f32 v4, $1.000000000e-30  }
0x93: {  	v5 =	vand.u32 $0x7FFFFF, v4  }
0x94: {  	v5 =	vor.u32 $0x3F800000, v5  }
0x95: {  	v62 =	vadd.f32 $1.000000000e+00, v5;
	_ =	sdelay $0x1  }
0x96: {  	(erf) = vrcp.f32 v62;
	_ =	sdelay $0x7  }
0x97: {  	v5 =	vadd.f32 $-1.000000000e+00, v5  }
0x98: {  	v6 =	vpop (erf)  }
0x99: {  	v5 =	vmul.f32 v6, v5;
	_ =	sdelay $0x1  }
0x9a: {  	v6 =	vmul.f32 v5, v5;
	_ =	sdelay $0x1  }
0x9b: {  	v63 =	vmul.f32 $1.428571490e-01, v6;
	_ =	sdelay $0x1  }
0x9c: {  	v7 =	vadd.f32 $2.000000030e-01, v63;
	_ =	sdelay $0x1  }
0x9d: {  	v7 =	vmul.f32 v7, v6;
	_ =	sdelay $0x1  }
0x9e: {  	v7 =	vadd.f32 $3.333333430e-01, v7;
	_ =	sdelay $0x1  }
0x9f: {  	v4 =	vshra.s32 v4, $0x17;
	v6 =	vmul.f32 v7, v6  }
0xa0: {  	v4 =	vadd.s32 $0xFFFFFF81, v4  }
0xa1: {  	v4 =	vcvt.s32.f32 v4;
	v5 =	vadd.f32 v5, v5;
	v6 =	vadd.f32 $1.000000000e+00, v6;
	_ =	sdelay $0x1  }
0xa2: {  	v4 =	vmul.f32 $6.931471820e-01, v4;
	v5 =	vmul.f32 v6, v5;
	_ =	sdelay $0x1  }
0xa3: {  	v4 =	vadd.f32 v5, v4  }
0xa4: {  	s1 =	sadd.s32 $0x10, s1  }
0xa5: {  	[tilespmem:s1+$0x0] =	vst v4  }
0xa6: {  	_ =	swait.ge [sflag:s26], $0x6400  }
0xa7: {  	s2 =	simm.s32 $0x0;
	[sflag:s26] =	ssyncset.done $0x0  }
0xa8: {  	s25 =	simm.s32 $0x0;
	s1 =	simm.s32 $0x0;
	[sflag:s26] =	ssyncadd.s32 $0xFFFF9C00  }
.LBB2_8:
0xa9: {  	_ =	sdelay $0x3  }
0xaa: {  	s31 =	sshll.u32 s25, $0x4;
	v5 =	vld.idx.msk [tilespmem:v2+s23+$0x0], $0xffff  }
0xab: {  	v4 =	vld [tilespmem:s31+$0xC800];
	_ =	sdelay $0x4  }
0xac: {  	vm0 =	vlt.f32 v5, v4  }
0xad: {  	v5 =	vsel vm0, $0x32, v3  }
0xae: {  	v6 =	vadd.s32 $0x18, v5;
	_ =	sdelay $0x4  }
0xaf: {  	v6 =	vld.idx.msk [tilespmem:v6+s23+$0x0], $0xffff;
	_ =	sdelay $0x4  }
0xb0: {  	vm10 =	vlt.f32 v6, v4;
	v6 =	vadd.s32 $0x19, v5  }
0xb1: {  	v5 =	vsel vm10, v6, v5  }
0xb2: {  	v6 =	vadd.s32 $0xC, v5;
	_ =	sdelay $0x4  }
0xb3: {  	v6 =	vld.idx.msk [tilespmem:v6+s23+$0x0], $0xffff;
	_ =	sdelay $0x4  }
0xb4: {  	vm11 =	vlt.f32 v6, v4;
	v6 =	vadd.s32 $0xD, v5  }
0xb5: {  	v5 =	vsel vm11, v6, v5  }
0xb6: {  	v6 =	vadd.s32 $0x5, v5;
	_ =	sdelay $0x4  }
0xb7: {  	v6 =	vld.idx.msk [tilespmem:v6+s23+$0x0], $0xffff;
	_ =	sdelay $0x4  }
0xb8: {  	vm12 =	vlt.f32 v6, v4;
	v6 =	vadd.s32 $0x6, v5  }
0xb9: {  	v5 =	vsel vm12, v6, v5  }
0xba: {  	v6 =	vadd.s32 $0x2, v5;
	_ =	sdelay $0x4  }
0xbb: {  	v6 =	vld.idx.msk [tilespmem:v6+s23+$0x0], $0xffff;
	_ =	sdelay $0x4  }
0xbc: {  	vm13 =	vlt.f32 v6, v4;
	v6 =	vadd.s32 $0x3, v5  }
0xbd: {  	v5 =	vsel vm13, v6, v5  }
0xbe: {  	v6 =	vadd.s32 $0x1, v5;
	_ =	sdelay $0x4  }
0xbf: {  	v6 =	vld.idx.msk [tilespmem:v6+s23+$0x0], $0xffff  }
0xc0: {  	s4 =	sshll.u32 s2, $0x2;
	s5 =	sand.u32 $0x7, s1  }
0xc1: {  	s4 =	sand.u32 $0xFFFFFE00, s4;
	s5 =	sshll.u32 s5, $0x6  }
0xc2: {  	s4 =	sor.u32 s5, s4  }
0xc3: {  	s4 =	sshrl.u32 s4, $0x2  }
0xc4: {  	s16 =	sadd.s32 $0x500, s4;
	vm14 =	vlt.f32 v6, v4;
	v6 =	vadd.s32 $0x2, v5  }
0xc5: {  	v5 =	vsel vm14, v6, v5;
	v6 =	vld [tilespmem:s16+$0xFFFFFB00];
	_ =	sdelay $0x3  }
0xc6: {  	v7 =	vld [tilespmem:s16+$0xFFFFFC00]  }
0xc7: {  	v6 =	vmul.f32 $1.442695020e+00, v6;
	_ =	sdelay $0x1  }
0xc8: {  	(erf) = vpow2.f32 v6;
	v6 =	vld [tilespmem:s16+$0xFFFFFD00]  }
0xc9: {  	v8 =	vld.idx.msk [tilespmem:v5+s23+$0x0], $0xffff  }
0xca: {  	v9 =	vld [tilespmem:s16+$0xFFFFFE00];
	v7 =	vmul.f32 $1.442695020e+00, v7;
	_ =	sdelay $0x1  }
0xcb: {  	(erf) = vpow2.f32 v7;
	v7 =	vld [tilespmem:s16+$0xFFFFFF00]  }
0xcc: {  	v10 =	vld [tilespmem:s16+$0x0];
	v6 =	vmul.f32 $1.442695020e+00, v6  }
0xcd: {  	vm15 =	vlt.f32 v8, v4  }
0xce: {  	v9 =	vmul.f32 $1.442695020e+00, v9;
	v8 =	vsel vm15, $0x1, v3;
	(erf) = vpow2.f32 v6  }
0xcf: {  	v5 =	vadd.s32 v8, v5;
	v8 =	vld [tilespmem:s16+$0x100]  }
0xd0: {  	v7 =	vmul.f32 $1.442695020e+00, v7;
	(erf) = vpow2.f32 v9  }
0xd1: {  	v11 =	vld [tilespmem:s16+$0x200];
	v9 =	vmul.f32 $1.442695020e+00, v10  }
0xd2: {  	v10 =	vpop (erf);
	(erf) = vpow2.f32 v7  }
0xd3: {  	v12 =	vimm.f32 $0.0e+00;
	v7 =	vld [tilespmem:s16+$0x300]  }
0xd4: {  	v10 =	vadd.f32 v10, v12;
	v63 =	vmul.f32 $1.442695020e+00, v8;
	(erf) = vpow2.f32 v9  }
0xd5: {  	v8 =	vld [tilespmem:s16+$0x400];
	v9 =	vpop (erf)  }
0xd6: {  	s4 =	simm.s32 $0x0;
	s5 =	sadd.s32 $0xA00, s16;
	v6 =	vld.idx.msk [tilespmem:v5+s23+$0x0], $0xffff;
	(erf) = vpow2.f32 v63;
	v10 =	vadd.f32 v9, v10;
	v9 =	vmul.f32 $1.442695020e+00, v11  }
.LBB2_9:
0xd7: {  	v11 =	vld [tilespmem:s5+$0xFFFFFB00];
	s4 =	sadd.s32 $0xA, s4;
	v12 =	vpop (erf)  }
0xd8: {  	p0 =	slt.u32 s4, $0x5A;
	v10 =	vadd.f32 v12, v10;
	v7 =	vmul.f32 $1.442695020e+00, v7;
	(erf) = vpow2.f32 v9  }
0xd9: {  	v9 =	vld [tilespmem:s5+$0xFFFFFC00];
	v12 =	vpop (erf)  }
0xda: {  	v10 =	vadd.f32 v12, v10;
	v8 =	vmul.f32 $1.442695020e+00, v8;
	(erf) = vpow2.f32 v7  }
0xdb: {  	v7 =	vld [tilespmem:s5+$0xFFFFFD00];
	v12 =	vpop (erf)  }
0xdc: {  	v11 =	vmul.f32 $1.442695020e+00, v11;
	v10 =	vadd.f32 v12, v10;
	(erf) = vpow2.f32 v8  }
0xdd: {  	v8 =	vld [tilespmem:s5+$0xFFFFFE00];
	v12 =	vpop (erf)  }
0xde: {  	v9 =	vmul.f32 $1.442695020e+00, v9;
	(erf) = vpow2.f32 v11;
	v10 =	vadd.f32 v12, v10  }
0xdf: {  	v11 =	vld [tilespmem:s5+$0xFFFFFF00];
	v12 =	vpop (erf)  }
0xe0: {  	v7 =	vmul.f32 $1.442695020e+00, v7;
	(erf) = vpow2.f32 v9;
	v9 =	vadd.f32 v12, v10  }
0xe1: {  	v10 =	vld [tilespmem:s5+$0x0];
	v12 =	vpop (erf)  }
0xe2: {  	v13 =	vmul.f32 $1.442695020e+00, v8;
	(erf) = vpow2.f32 v7;
	v7 =	vadd.f32 v12, v9  }
0xe3: {  	v9 =	vld [tilespmem:s5+$0x100];
	v12 =	vpop (erf)  }
0xe4: {  	v14 =	vmul.f32 $1.442695020e+00, v11;
	(erf) = vpow2.f32 v13;
	v7 =	vadd.f32 v12, v7  }
0xe5: {  	v12 =	vld [tilespmem:s5+$0x200];
	v8 =	vpop (erf)  }
.Ltmp3:
0xe6: {  	v10 =	vmul.f32 $1.442695020e+00, v10;
	(erf) = vpow2.f32 v14;
	v8 =	vadd.f32 v8, v7;
	(pc) =	sbr.rel @p0 .LBB2_9-.Ltmp3, $4  }
0xe7: {  	v7 =	vld [tilespmem:s5+$0x300];
	v11 =	vpop (erf)  }
0xe8: {  	v11 =	vadd.f32 v11, v8;
	v13 =	vmul.f32 $1.442695020e+00, v9;
	(erf) = vpow2.f32 v10  }
0xe9: {  	v8 =	vld [tilespmem:s5+$0x400];
	v9 =	vpop (erf)  }
0xea: {  	s5 =	sadd.s32 $0xA00, s5;
	v10 =	vadd.f32 v9, v11;
	v9 =	vmul.f32 $1.442695020e+00, v12;
	(erf) = vpow2.f32 v13  }
0xeb: {  	v11 =	vpop (erf)  }
0xec: {  	v10 =	vadd.f32 v11, v10;
	v7 =	vmul.f32 $1.442695020e+00, v7;
	(erf) = vpow2.f32 v9  }
0xed: {  	v48 =	vpop (erf)  }
0xee: {  	v9 =	vadd.f32 v48, v10;
	v8 =	vmul.f32 $1.442695020e+00, v8;
	(erf) = vpow2.f32 v7  }
0xef: {  	v49 =	vpop (erf)  }
0xf0: {  	v7 =	vadd.f32 v49, v9;
	(erf) = vpow2.f32 v8  }
0xf1: {  	v50 =	vpop (erf)  }
0xf2: {  	v7 =	vadd.f32 v50, v7  }
0xf3: {  	v51 =	vpop (erf)  }
0xf4: {  	v7 =	vadd.f32 v51, v7  }
0xf5: {  	v52 =	vpop (erf)  }
0xf6: {  	v7 =	vadd.f32 v52, v7  }
0xf7: {  	v53 =	vpop (erf)  }
0xf8: {  	v7 =	vadd.f32 v53, v7  }
0xf9: {  	v54 =	vpop (erf)  }
0xfa: {  	v7 =	vadd.f32 v54, v7;
	_ =	sdelay $0x1  }
0xfb: {  	v8 =	vand.u32 $0x7FFFFF, v7  }
0xfc: {  	v8 =	vor.u32 $0x3F800000, v8  }
0xfd: {  	v55 =	vadd.f32 $1.000000000e+00, v8;
	_ =	sdelay $0x1  }
0xfe: {  	(erf) = vrcp.f32 v55;
	_ =	sdelay $0x7  }
0xff: {  	v8 =	vadd.f32 $-1.000000000e+00, v8  }
0x100: {  	v9 =	vpop (erf)  }
0x101: {  	v8 =	vmul.f32 v9, v8;
	_ =	sdelay $0x1  }
0x102: {  	vm0 =	vlt.f32 v6, v4;
	v56 =	vmul.f32 v8, v8  }
0x103: {  	v4 =	vsel vm0, $0x1, v3  }
0x104: {  	v4 =	vadd.s32 v4, v5;
	v5 =	vmul.f32 $1.428571490e-01, v56  }
0x105: {  	v4 =	vmax.u32 v4, $0x1  }
0x106: {  	v4 =	vmin.u32 v4, $0x64;
	v5 =	vadd.f32 $2.000000030e-01, v5  }
0x107: {  	v58 =	vmov s31;
	v59 =	vor.u32 s31, v0;
	v4 =	vadd.s32 $0xFFFFFFFF, v4  }
0x108: {  	v10 =	vand.u32 $0x80, v58;
	v57 =	vshll.u32 v4, $0x8;
	v5 =	vmul.f32 v5, v56  }
0x109: {  	v60 =	vand.u32 $0x7F, v59;
	v9 =	vor.u32 v10, v57  }
0x10a: {  	v9 =	vor.u32 v60, v9;
	v5 =	vadd.f32 $3.333333430e-01, v5;
	_ =	sdelay $0x1  }
0x10b: {  	v7 =	vshra.s32 v7, $0x17;
	v5 =	vmul.f32 v5, v56  }
0x10c: {  	v61 =	vadd.s32 $0xFFFFFF81, v7  }
0x10d: {  	v6 =	vcvt.s32.f32 v61;
	v62 =	vadd.f32 v8, v8;
	v5 =	vadd.f32 $1.000000000e+00, v5  }
0x10e: {  	v63 =	vld.idx.msk [tilespmem:v9+s3+$0x0], $0xffff  }
0x10f: {  	v6 =	vmul.f32 $6.931471820e-01, v6;
	v5 =	vmul.f32 v5, v62  }
0x110: {  	v4 =	vld.idx.msk [tilespmem:v4+s28+$0x0], $0xffff  }
0x111: {  	s25 =	sadd.s32 $0x1, s25;
	v5 =	vadd.f32 v5, v6  }
0x112: {  	p0 =	sne.s32 s25, $0x10  }
.Ltmp4:
0x113: {  	v5 =	vsub.f32 v5, v63;
	(pc) =	sbr.rel @p0 .LBB2_8-.Ltmp4, $3  }
0x114: {  	_ = 	snop  }
0x115: {  	v4 =	vadd.f32 v4, v5;
	_ =	sdelay $0x1  }
0x116: {  	s2 =	sadd.s32 $0x10, s2;
	s1 =	sadd.s32 $0x1, s1;
	[tilespmem:s31+$0xCC00] =	vst v4  }
0x117: {  	s1 =	simm.s32 $0x0;
	s31 =	simm.s32 $0x100;
	s2 =	simm.s32 $0x200  }
0x118: {  	[tilespmem:s1], [sflag:$0x1] =	stream.linear.gather [hbm4b:s18+s3], $0x100, $0x38;
	[tilespmem:$0xD100] =	vst v63  }
0x119: {  	s13 =	rddreg [dreg:$0xb];
	s4 =	sadd.s32 $0x4000, s17;
	s5 =	sadd.s32 $0x4000, s18  }
0x11a: {  	[tilespmem:s31], [sflag:$0x1] =	stream.linear.gather [hbm4b:s17+s3], $0x100, $0x38;
	[tilespmem:$0xD100] =	vst v63  }
0x11b: {  	s6 =	simm.s32 $0x700;
	s12 =	sadd.s32 $0x4000, s15;
	s14 =	smov.u32 s15  }
0x11c: {  	[tilespmem:s2], [sflag:$0x1] =	stream.linear.gather [hbm4b:s13+s3], $0x100, $0x38;
	[tilespmem:$0xD100] =	vst v63  }
0x11d: {  	s1 =	simm.s32 $0x300;
	s2 =	simm.s32 $0x0;
	s13 =	sadd.s32 $0x4000, s13  }
.LBB2_12:
0x11e: {  	[tilespmem:s1], [sflag:$0x1] =	stream.linear.gather [hbm4b:s14+s3], $0x100, $0x38;
	[tilespmem:$0xD100] =	vst v63  }
0x11f: {  	s1 =	smov.u32 s6;
	s14 =	smov.u32 s12;
	s2 =	sadd.s32 $0x4, s2  }
0x120: {  	s16 =	sadd.s32 $0xFFFFFD00, s6;
	p0 =	slt.u32 s2, $0x60  }
0x121: {  	[tilespmem:s16], [sflag:$0x1] =	stream.linear.gather [hbm4b:s5+s3], $0x100, $0x38;
	[tilespmem:$0xD100] =	vst v63  }
.Ltmp5:
0x122: {  	s16 =	sadd.s32 $0xFFFFFE00, s6;
	(pc) =	sbr.rel @p0 .LBB2_12-.Ltmp5, $4  }
0x123: {  	[tilespmem:s16], [sflag:$0x1] =	stream.linear.gather [hbm4b:s4+s3], $0x100, $0x38;
	[tilespmem:$0xD100] =	vst v63  }
0x124: {  	s5 =	sadd.s32 $0x4000, s5;
	s16 =	sadd.s32 $0xFFFFFF00, s6;
	s4 =	sadd.s32 $0x4000, s4  }
0x125: {  	[tilespmem:s16], [sflag:$0x1] =	stream.linear.gather [hbm4b:s13+s3], $0x100, $0x38;
	[tilespmem:$0xD100] =	vst v63  }
0x126: {  	s12 =	sadd.s32 $0x4000, s12;
	s6 =	sadd.s32 $0x400, s6;
	s13 =	sadd.s32 $0x4000, s13  }
0x127: {  	[tilespmem:s1], [sflag:$0x1] =	stream.linear.gather [hbm4b:s14+s3], $0x100, $0x38;
	[tilespmem:$0xD100] =	vst v63  }
0x128: {  	_ =	swait.ge [sflag:s29], $0x6400  }
0x129: {  	s1 =	simm.s32 $0x0;
	[sflag:s29] =	ssyncset.done $0x0  }
0x12a: {  	s2 =	simm.s32 $0x0;
	s25 =	simm.s32 $0x0;
	[sflag:s29] =	ssyncadd.s32 $0xFFFF9C00  }
.LBB2_14:
0x12b: {  	_ =	sdelay $0x3  }
0x12c: {  	s31 =	sshll.u32 s25, $0x4;
	v5 =	vld.idx.msk [tilespmem:v2+s23+$0x0], $0xffff  }
0x12d: {  	v4 =	vld [tilespmem:s31+$0xC900];
	_ =	sdelay $0x4  }
0x12e: {  	vm0 =	vlt.f32 v5, v4  }
0x12f: {  	v5 =	vsel vm0, $0x32, v3  }
0x130: {  	v6 =	vadd.s32 $0x18, v5;
	_ =	sdelay $0x4  }
0x131: {  	v6 =	vld.idx.msk [tilespmem:v6+s23+$0x0], $0xffff;
	_ =	sdelay $0x4  }
0x132: {  	vm10 =	vlt.f32 v6, v4;
	v6 =	vadd.s32 $0x19, v5  }
0x133: {  	v5 =	vsel vm10, v6, v5  }
0x134: {  	v6 =	vadd.s32 $0xC, v5;
	_ =	sdelay $0x4  }
0x135: {  	v6 =	vld.idx.msk [tilespmem:v6+s23+$0x0], $0xffff;
	_ =	sdelay $0x4  }
0x136: {  	vm11 =	vlt.f32 v6, v4;
	v6 =	vadd.s32 $0xD, v5  }
0x137: {  	v5 =	vsel vm11, v6, v5  }
0x138: {  	v6 =	vadd.s32 $0x5, v5;
	_ =	sdelay $0x4  }
0x139: {  	v6 =	vld.idx.msk [tilespmem:v6+s23+$0x0], $0xffff;
	_ =	sdelay $0x4  }
0x13a: {  	vm12 =	vlt.f32 v6, v4;
	v6 =	vadd.s32 $0x6, v5  }
0x13b: {  	v5 =	vsel vm12, v6, v5  }
0x13c: {  	v6 =	vadd.s32 $0x2, v5;
	_ =	sdelay $0x4  }
0x13d: {  	v6 =	vld.idx.msk [tilespmem:v6+s23+$0x0], $0xffff;
	_ =	sdelay $0x4  }
0x13e: {  	vm13 =	vlt.f32 v6, v4;
	v6 =	vadd.s32 $0x3, v5  }
0x13f: {  	v5 =	vsel vm13, v6, v5  }
0x140: {  	v6 =	vadd.s32 $0x1, v5;
	_ =	sdelay $0x4  }
0x141: {  	v6 =	vld.idx.msk [tilespmem:v6+s23+$0x0], $0xffff  }
0x142: {  	s4 =	sshll.u32 s2, $0x2;
	s5 =	sand.u32 $0x7, s1  }
0x143: {  	s4 =	sand.u32 $0xFFFFFE00, s4;
	s5 =	sshll.u32 s5, $0x6  }
0x144: {  	s4 =	sor.u32 s5, s4  }
0x145: {  	s4 =	sshrl.u32 s4, $0x2  }
0x146: {  	s6 =	sadd.s32 $0x6900, s4;
	vm14 =	vlt.f32 v6, v4;
	v6 =	vadd.s32 $0x2, v5  }
0x147: {  	v5 =	vsel vm14, v6, v5;
	v6 =	vld [tilespmem:s6+$0xFFFFFB00];
	_ =	sdelay $0x3  }
0x148: {  	v7 =	vld [tilespmem:s6+$0xFFFFFC00]  }
0x149: {  	v6 =	vmul.f32 $1.442695020e+00, v6;
	_ =	sdelay $0x1  }
0x14a: {  	(erf) = vpow2.f32 v6;
	v6 =	vld [tilespmem:s6+$0xFFFFFD00]  }
0x14b: {  	v8 =	vld.idx.msk [tilespmem:v5+s23+$0x0], $0xffff  }
0x14c: {  	v9 =	vld [tilespmem:s6+$0xFFFFFE00];
	v7 =	vmul.f32 $1.442695020e+00, v7;
	_ =	sdelay $0x1  }
0x14d: {  	(erf) = vpow2.f32 v7;
	v7 =	vld [tilespmem:s6+$0xFFFFFF00]  }
0x14e: {  	v10 =	vld [tilespmem:s6+$0x0];
	v6 =	vmul.f32 $1.442695020e+00, v6  }
0x14f: {  	vm15 =	vlt.f32 v8, v4  }
0x150: {  	v9 =	vmul.f32 $1.442695020e+00, v9;
	v8 =	vsel vm15, $0x1, v3;
	(erf) = vpow2.f32 v6  }
0x151: {  	v5 =	vadd.s32 v8, v5;
	v8 =	vld [tilespmem:s6+$0x100]  }
0x152: {  	v7 =	vmul.f32 $1.442695020e+00, v7;
	(erf) = vpow2.f32 v9  }
0x153: {  	v11 =	vld [tilespmem:s6+$0x200];
	v9 =	vmul.f32 $1.442695020e+00, v10  }
0x154: {  	v10 =	vpop (erf);
	(erf) = vpow2.f32 v7  }
0x155: {  	v12 =	vimm.f32 $0.0e+00;
	v7 =	vld [tilespmem:s6+$0x300]  }
0x156: {  	v10 =	vadd.f32 v10, v12;
	v63 =	vmul.f32 $1.442695020e+00, v8;
	(erf) = vpow2.f32 v9  }
0x157: {  	v8 =	vld [tilespmem:s6+$0x400];
	v9 =	vpop (erf)  }
0x158: {  	s5 =	simm.s32 $0x0;
	s4 =	sor.u32 $0x100, s31;
	v6 =	vld.idx.msk [tilespmem:v5+s23+$0x0], $0xffff;
	s6 =	sadd.s32 $0xA00, s6;
	(erf) = vpow2.f32 v63;
	v10 =	vadd.f32 v9, v10;
	v9 =	vmul.f32 $1.442695020e+00, v11  }
.LBB2_15:
0x159: {  	v11 =	vld [tilespmem:s6+$0xFFFFFB00];
	s5 =	sadd.s32 $0xA, s5;
	v12 =	vpop (erf)  }
0x15a: {  	p0 =	slt.u32 s5, $0x5A;
	v10 =	vadd.f32 v12, v10;
	v7 =	vmul.f32 $1.442695020e+00, v7;
	(erf) = vpow2.f32 v9  }
0x15b: {  	v9 =	vld [tilespmem:s6+$0xFFFFFC00];
	v12 =	vpop (erf)  }
0x15c: {  	v10 =	vadd.f32 v12, v10;
	v8 =	vmul.f32 $1.442695020e+00, v8;
	(erf) = vpow2.f32 v7  }
0x15d: {  	v7 =	vld [tilespmem:s6+$0xFFFFFD00];
	v12 =	vpop (erf)  }
0x15e: {  	v11 =	vmul.f32 $1.442695020e+00, v11;
	v10 =	vadd.f32 v12, v10;
	(erf) = vpow2.f32 v8  }
0x15f: {  	v8 =	vld [tilespmem:s6+$0xFFFFFE00];
	v12 =	vpop (erf)  }
0x160: {  	v9 =	vmul.f32 $1.442695020e+00, v9;
	(erf) = vpow2.f32 v11;
	v10 =	vadd.f32 v12, v10  }
0x161: {  	v11 =	vld [tilespmem:s6+$0xFFFFFF00];
	v12 =	vpop (erf)  }
0x162: {  	v7 =	vmul.f32 $1.442695020e+00, v7;
	(erf) = vpow2.f32 v9;
	v9 =	vadd.f32 v12, v10  }
0x163: {  	v10 =	vld [tilespmem:s6+$0x0];
	v12 =	vpop (erf)  }
0x164: {  	v13 =	vmul.f32 $1.442695020e+00, v8;
	(erf) = vpow2.f32 v7;
	v7 =	vadd.f32 v12, v9  }
0x165: {  	v9 =	vld [tilespmem:s6+$0x100];
	v12 =	vpop (erf)  }
0x166: {  	v14 =	vmul.f32 $1.442695020e+00, v11;
	(erf) = vpow2.f32 v13;
	v7 =	vadd.f32 v12, v7  }
0x167: {  	v12 =	vld [tilespmem:s6+$0x200];
	v8 =	vpop (erf)  }
.Ltmp6:
0x168: {  	v10 =	vmul.f32 $1.442695020e+00, v10;
	(erf) = vpow2.f32 v14;
	v8 =	vadd.f32 v8, v7;
	(pc) =	sbr.rel @p0 .LBB2_15-.Ltmp6, $4  }
0x169: {  	v7 =	vld [tilespmem:s6+$0x300];
	v11 =	vpop (erf)  }
0x16a: {  	v11 =	vadd.f32 v11, v8;
	v13 =	vmul.f32 $1.442695020e+00, v9;
	(erf) = vpow2.f32 v10  }
0x16b: {  	v8 =	vld [tilespmem:s6+$0x400];
	v9 =	vpop (erf)  }
0x16c: {  	s6 =	sadd.s32 $0xA00, s6;
	v10 =	vadd.f32 v9, v11;
	v9 =	vmul.f32 $1.442695020e+00, v12;
	(erf) = vpow2.f32 v13  }
0x16d: {  	v11 =	vpop (erf)  }
0x16e: {  	v10 =	vadd.f32 v11, v10;
	v7 =	vmul.f32 $1.442695020e+00, v7;
	(erf) = vpow2.f32 v9  }
0x16f: {  	v48 =	vpop (erf)  }
0x170: {  	v9 =	vadd.f32 v48, v10;
	v8 =	vmul.f32 $1.442695020e+00, v8;
	(erf) = vpow2.f32 v7  }
0x171: {  	v49 =	vpop (erf)  }
0x172: {  	v7 =	vadd.f32 v49, v9;
	(erf) = vpow2.f32 v8  }
0x173: {  	v50 =	vpop (erf)  }
0x174: {  	v7 =	vadd.f32 v50, v7  }
0x175: {  	v51 =	vpop (erf)  }
0x176: {  	v7 =	vadd.f32 v51, v7  }
0x177: {  	v52 =	vpop (erf)  }
0x178: {  	v7 =	vadd.f32 v52, v7  }
0x179: {  	v53 =	vpop (erf)  }
0x17a: {  	v7 =	vadd.f32 v53, v7  }
0x17b: {  	v54 =	vpop (erf)  }
0x17c: {  	v7 =	vadd.f32 v54, v7;
	_ =	sdelay $0x1  }
0x17d: {  	v8 =	vand.u32 $0x7FFFFF, v7  }
0x17e: {  	v8 =	vor.u32 $0x3F800000, v8  }
0x17f: {  	v55 =	vadd.f32 $1.000000000e+00, v8;
	_ =	sdelay $0x1  }
0x180: {  	(erf) = vrcp.f32 v55;
	_ =	sdelay $0x7  }
0x181: {  	v8 =	vadd.f32 $-1.000000000e+00, v8  }
0x182: {  	v9 =	vpop (erf)  }
0x183: {  	v8 =	vmul.f32 v9, v8;
	_ =	sdelay $0x1  }
0x184: {  	vm0 =	vlt.f32 v6, v4;
	v56 =	vmul.f32 v8, v8  }
0x185: {  	v4 =	vsel vm0, $0x1, v3  }
0x186: {  	v4 =	vadd.s32 v4, v5;
	v5 =	vmul.f32 $1.428571490e-01, v56  }
0x187: {  	v4 =	vmax.u32 v4, $0x1  }
0x188: {  	v4 =	vmin.u32 v4, $0x64;
	v5 =	vadd.f32 $2.000000030e-01, v5  }
0x189: {  	v58 =	vmov s31;
	v59 =	vor.u32 s31, v0;
	v4 =	vadd.s32 $0xFFFFFFFF, v4  }
0x18a: {  	v10 =	vand.u32 $0x80, v58;
	v57 =	vshll.u32 v4, $0x8;
	v5 =	vmul.f32 v5, v56  }
0x18b: {  	v60 =	vand.u32 $0x7F, v59;
	v9 =	vor.u32 v10, v57  }
0x18c: {  	v9 =	vor.u32 v60, v9;
	v5 =	vadd.f32 $3.333333430e-01, v5;
	_ =	sdelay $0x1  }
0x18d: {  	v7 =	vshra.s32 v7, $0x17;
	v5 =	vmul.f32 v5, v56  }
0x18e: {  	v61 =	vadd.s32 $0xFFFFFF81, v7  }
0x18f: {  	v6 =	vcvt.s32.f32 v61;
	v62 =	vadd.f32 v8, v8;
	v5 =	vadd.f32 $1.000000000e+00, v5  }
0x190: {  	v63 =	vld.idx.msk [tilespmem:v9+s30+$0x0], $0xffff  }
0x191: {  	v6 =	vmul.f32 $6.931471820e-01, v6;
	v5 =	vmul.f32 v5, v62  }
0x192: {  	v4 =	vld.idx.msk [tilespmem:v4+s28+$0x0], $0xffff  }
0x193: {  	s25 =	sadd.s32 $0x1, s25;
	v5 =	vadd.f32 v5, v6  }
0x194: {  	p0 =	sne.s32 s25, $0x10  }
.Ltmp7:
0x195: {  	v5 =	vsub.f32 v5, v63;
	(pc) =	sbr.rel @p0 .LBB2_14-.Ltmp7, $3  }
0x196: {  	_ = 	snop  }
0x197: {  	v4 =	vadd.f32 v4, v5;
	_ =	sdelay $0x1  }
0x198: {  	s2 =	sadd.s32 $0x10, s2;
	s1 =	sadd.s32 $0x1, s1;
	[tilespmem:s4+$0xCC00] =	vst v4  }
0x199: {  	s1 =	simm.s32 $0x6400;
	s31 =	simm.s32 $0x6500  }
0x19a: {  	[tilespmem:s1], [sflag:$0x2] =	stream.linear.gather [hbm4b:s22+s3], $0x100, $0x38;
	[tilespmem:$0xD100] =	vst v63  }
0x19b: {  	s2 =	simm.s32 $0x6600;
	s4 =	sadd.s32 $0x4000, s21;
	s5 =	sadd.s32 $0x4000, s22  }
0x19c: {  	[tilespmem:s31], [sflag:$0x2] =	stream.linear.gather [hbm4b:s21+s3], $0x100, $0x38;
	[tilespmem:$0xD100] =	vst v63  }
0x19d: {  	s6 =	simm.s32 $0x6B00;
	s12 =	sadd.s32 $0x4000, s19;
	s13 =	sadd.s32 $0x4000, s20  }
0x19e: {  	[tilespmem:s2], [sflag:$0x2] =	stream.linear.gather [hbm4b:s20+s3], $0x100, $0x38;
	[tilespmem:$0xD100] =	vst v63  }
0x19f: {  	s14 =	smov.u32 s19;
	s1 =	simm.s32 $0x6700;
	s2 =	simm.s32 $0x0  }
.LBB2_18:
0x1a0: {  	[tilespmem:s1], [sflag:$0x2] =	stream.linear.gather [hbm4b:s14+s3], $0x100, $0x38;
	[tilespmem:$0xD100] =	vst v63  }
0x1a1: {  	s1 =	smov.u32 s6;
	s14 =	smov.u32 s12;
	s2 =	sadd.s32 $0x4, s2  }
0x1a2: {  	s16 =	sadd.s32 $0xFFFFFD00, s6;
	p0 =	slt.u32 s2, $0x60  }
0x1a3: {  	[tilespmem:s16], [sflag:$0x2] =	stream.linear.gather [hbm4b:s5+s3], $0x100, $0x38;
	[tilespmem:$0xD100] =	vst v63  }
.Ltmp8:
0x1a4: {  	s16 =	sadd.s32 $0xFFFFFE00, s6;
	(pc) =	sbr.rel @p0 .LBB2_18-.Ltmp8, $4  }
0x1a5: {  	[tilespmem:s16], [sflag:$0x2] =	stream.linear.gather [hbm4b:s4+s3], $0x100, $0x38;
	[tilespmem:$0xD100] =	vst v63  }
0x1a6: {  	s5 =	sadd.s32 $0x4000, s5;
	s16 =	sadd.s32 $0xFFFFFF00, s6;
	s4 =	sadd.s32 $0x4000, s4  }
0x1a7: {  	[tilespmem:s16], [sflag:$0x2] =	stream.linear.gather [hbm4b:s13+s3], $0x100, $0x38;
	[tilespmem:$0xD100] =	vst v63  }
0x1a8: {  	s12 =	sadd.s32 $0x4000, s12;
	s6 =	sadd.s32 $0x400, s6;
	s13 =	sadd.s32 $0x4000, s13  }
0x1a9: {  	[tilespmem:s1], [sflag:$0x2] =	stream.linear.gather [hbm4b:s14+s3], $0x100, $0x38;
	[tilespmem:$0xD100] =	vst v63  }
0x1aa: {  	_ =	swait.ge [sflag:s26], $0x6400  }
0x1ab: {  	s1 =	simm.s32 $0x0;
	[sflag:s26] =	ssyncset.done $0x0  }
0x1ac: {  	s2 =	simm.s32 $0x0;
	s25 =	simm.s32 $0x0;
	[sflag:s26] =	ssyncadd.s32 $0xFFFF9C00  }
.LBB2_20:
0x1ad: {  	_ =	sdelay $0x3  }
0x1ae: {  	s31 =	sshll.u32 s25, $0x4;
	v5 =	vld.idx.msk [tilespmem:v2+s23+$0x0], $0xffff  }
0x1af: {  	v4 =	vld [tilespmem:s31+$0xCA00];
	_ =	sdelay $0x4  }
0x1b0: {  	vm0 =	vlt.f32 v5, v4  }
0x1b1: {  	v5 =	vsel vm0, $0x32, v3  }
0x1b2: {  	v6 =	vadd.s32 $0x18, v5;
	_ =	sdelay $0x4  }
0x1b3: {  	v6 =	vld.idx.msk [tilespmem:v6+s23+$0x0], $0xffff;
	_ =	sdelay $0x4  }
0x1b4: {  	vm10 =	vlt.f32 v6, v4;
	v6 =	vadd.s32 $0x19, v5  }
0x1b5: {  	v5 =	vsel vm10, v6, v5  }
0x1b6: {  	v6 =	vadd.s32 $0xC, v5;
	_ =	sdelay $0x4  }
0x1b7: {  	v6 =	vld.idx.msk [tilespmem:v6+s23+$0x0], $0xffff;
	_ =	sdelay $0x4  }
0x1b8: {  	vm11 =	vlt.f32 v6, v4;
	v6 =	vadd.s32 $0xD, v5  }
0x1b9: {  	v5 =	vsel vm11, v6, v5  }
0x1ba: {  	v6 =	vadd.s32 $0x5, v5;
	_ =	sdelay $0x4  }
0x1bb: {  	v6 =	vld.idx.msk [tilespmem:v6+s23+$0x0], $0xffff;
	_ =	sdelay $0x4  }
0x1bc: {  	vm12 =	vlt.f32 v6, v4;
	v6 =	vadd.s32 $0x6, v5  }
0x1bd: {  	v5 =	vsel vm12, v6, v5  }
0x1be: {  	v6 =	vadd.s32 $0x2, v5;
	_ =	sdelay $0x4  }
0x1bf: {  	v6 =	vld.idx.msk [tilespmem:v6+s23+$0x0], $0xffff;
	_ =	sdelay $0x4  }
0x1c0: {  	vm13 =	vlt.f32 v6, v4;
	v6 =	vadd.s32 $0x3, v5  }
0x1c1: {  	v5 =	vsel vm13, v6, v5  }
0x1c2: {  	v6 =	vadd.s32 $0x1, v5;
	_ =	sdelay $0x4  }
0x1c3: {  	v6 =	vld.idx.msk [tilespmem:v6+s23+$0x0], $0xffff  }
0x1c4: {  	s4 =	sshll.u32 s2, $0x2;
	s5 =	sand.u32 $0x7, s1  }
0x1c5: {  	s4 =	sand.u32 $0xFFFFFE00, s4;
	s5 =	sshll.u32 s5, $0x6  }
0x1c6: {  	s4 =	sor.u32 s5, s4  }
0x1c7: {  	s4 =	sshrl.u32 s4, $0x2  }
0x1c8: {  	s6 =	sadd.s32 $0x500, s4;
	vm14 =	vlt.f32 v6, v4;
	v6 =	vadd.s32 $0x2, v5  }
0x1c9: {  	v5 =	vsel vm14, v6, v5;
	v6 =	vld [tilespmem:s6+$0xFFFFFB00];
	_ =	sdelay $0x3  }
0x1ca: {  	v7 =	vld [tilespmem:s6+$0xFFFFFC00]  }
0x1cb: {  	v6 =	vmul.f32 $1.442695020e+00, v6;
	_ =	sdelay $0x1  }
0x1cc: {  	(erf) = vpow2.f32 v6;
	v6 =	vld [tilespmem:s6+$0xFFFFFD00]  }
0x1cd: {  	v8 =	vld.idx.msk [tilespmem:v5+s23+$0x0], $0xffff  }
0x1ce: {  	v9 =	vld [tilespmem:s6+$0xFFFFFE00];
	v7 =	vmul.f32 $1.442695020e+00, v7;
	_ =	sdelay $0x1  }
0x1cf: {  	(erf) = vpow2.f32 v7;
	v7 =	vld [tilespmem:s6+$0xFFFFFF00]  }
0x1d0: {  	v10 =	vld [tilespmem:s6+$0x0];
	v6 =	vmul.f32 $1.442695020e+00, v6  }
0x1d1: {  	vm15 =	vlt.f32 v8, v4  }
0x1d2: {  	v9 =	vmul.f32 $1.442695020e+00, v9;
	v8 =	vsel vm15, $0x1, v3;
	(erf) = vpow2.f32 v6  }
0x1d3: {  	v5 =	vadd.s32 v8, v5;
	v8 =	vld [tilespmem:s6+$0x100]  }
0x1d4: {  	v7 =	vmul.f32 $1.442695020e+00, v7;
	(erf) = vpow2.f32 v9  }
0x1d5: {  	v11 =	vld [tilespmem:s6+$0x200];
	v9 =	vmul.f32 $1.442695020e+00, v10  }
0x1d6: {  	v10 =	vpop (erf);
	(erf) = vpow2.f32 v7  }
0x1d7: {  	v12 =	vimm.f32 $0.0e+00;
	v7 =	vld [tilespmem:s6+$0x300]  }
0x1d8: {  	v10 =	vadd.f32 v10, v12;
	v63 =	vmul.f32 $1.442695020e+00, v8;
	(erf) = vpow2.f32 v9  }
0x1d9: {  	v8 =	vld [tilespmem:s6+$0x400];
	v9 =	vpop (erf)  }
0x1da: {  	s5 =	simm.s32 $0x0;
	s4 =	sor.u32 $0x200, s31;
	v6 =	vld.idx.msk [tilespmem:v5+s23+$0x0], $0xffff;
	s6 =	sadd.s32 $0xA00, s6;
	(erf) = vpow2.f32 v63;
	v10 =	vadd.f32 v9, v10;
	v9 =	vmul.f32 $1.442695020e+00, v11  }
.LBB2_21:
0x1db: {  	v11 =	vld [tilespmem:s6+$0xFFFFFB00];
	s5 =	sadd.s32 $0xA, s5;
	v12 =	vpop (erf)  }
0x1dc: {  	p0 =	slt.u32 s5, $0x5A;
	v10 =	vadd.f32 v12, v10;
	v7 =	vmul.f32 $1.442695020e+00, v7;
	(erf) = vpow2.f32 v9  }
0x1dd: {  	v9 =	vld [tilespmem:s6+$0xFFFFFC00];
	v12 =	vpop (erf)  }
0x1de: {  	v10 =	vadd.f32 v12, v10;
	v8 =	vmul.f32 $1.442695020e+00, v8;
	(erf) = vpow2.f32 v7  }
0x1df: {  	v7 =	vld [tilespmem:s6+$0xFFFFFD00];
	v12 =	vpop (erf)  }
0x1e0: {  	v11 =	vmul.f32 $1.442695020e+00, v11;
	v10 =	vadd.f32 v12, v10;
	(erf) = vpow2.f32 v8  }
0x1e1: {  	v8 =	vld [tilespmem:s6+$0xFFFFFE00];
	v12 =	vpop (erf)  }
0x1e2: {  	v9 =	vmul.f32 $1.442695020e+00, v9;
	(erf) = vpow2.f32 v11;
	v10 =	vadd.f32 v12, v10  }
0x1e3: {  	v11 =	vld [tilespmem:s6+$0xFFFFFF00];
	v12 =	vpop (erf)  }
0x1e4: {  	v7 =	vmul.f32 $1.442695020e+00, v7;
	(erf) = vpow2.f32 v9;
	v9 =	vadd.f32 v12, v10  }
0x1e5: {  	v10 =	vld [tilespmem:s6+$0x0];
	v12 =	vpop (erf)  }
0x1e6: {  	v13 =	vmul.f32 $1.442695020e+00, v8;
	(erf) = vpow2.f32 v7;
	v7 =	vadd.f32 v12, v9  }
0x1e7: {  	v9 =	vld [tilespmem:s6+$0x100];
	v12 =	vpop (erf)  }
0x1e8: {  	v14 =	vmul.f32 $1.442695020e+00, v11;
	(erf) = vpow2.f32 v13;
	v7 =	vadd.f32 v12, v7  }
0x1e9: {  	v12 =	vld [tilespmem:s6+$0x200];
	v8 =	vpop (erf)  }
.Ltmp9:
0x1ea: {  	v10 =	vmul.f32 $1.442695020e+00, v10;
	(erf) = vpow2.f32 v14;
	v8 =	vadd.f32 v8, v7;
	(pc) =	sbr.rel @p0 .LBB2_21-.Ltmp9, $4  }
0x1eb: {  	v7 =	vld [tilespmem:s6+$0x300];
	v11 =	vpop (erf)  }
0x1ec: {  	v11 =	vadd.f32 v11, v8;
	v13 =	vmul.f32 $1.442695020e+00, v9;
	(erf) = vpow2.f32 v10  }
0x1ed: {  	v8 =	vld [tilespmem:s6+$0x400];
	v9 =	vpop (erf)  }
0x1ee: {  	s6 =	sadd.s32 $0xA00, s6;
	v10 =	vadd.f32 v9, v11;
	v9 =	vmul.f32 $1.442695020e+00, v12;
	(erf) = vpow2.f32 v13  }
0x1ef: {  	v11 =	vpop (erf)  }
0x1f0: {  	v10 =	vadd.f32 v11, v10;
	v7 =	vmul.f32 $1.442695020e+00, v7;
	(erf) = vpow2.f32 v9  }
0x1f1: {  	v48 =	vpop (erf)  }
0x1f2: {  	v9 =	vadd.f32 v48, v10;
	v8 =	vmul.f32 $1.442695020e+00, v8;
	(erf) = vpow2.f32 v7  }
0x1f3: {  	v49 =	vpop (erf)  }
0x1f4: {  	v7 =	vadd.f32 v49, v9;
	(erf) = vpow2.f32 v8  }
0x1f5: {  	v50 =	vpop (erf)  }
0x1f6: {  	v7 =	vadd.f32 v50, v7  }
0x1f7: {  	v51 =	vpop (erf)  }
0x1f8: {  	v7 =	vadd.f32 v51, v7  }
0x1f9: {  	v52 =	vpop (erf)  }
0x1fa: {  	v7 =	vadd.f32 v52, v7  }
0x1fb: {  	v53 =	vpop (erf)  }
0x1fc: {  	v7 =	vadd.f32 v53, v7  }
0x1fd: {  	v54 =	vpop (erf)  }
0x1fe: {  	v7 =	vadd.f32 v54, v7;
	_ =	sdelay $0x1  }
0x1ff: {  	v8 =	vand.u32 $0x7FFFFF, v7  }
0x200: {  	v8 =	vor.u32 $0x3F800000, v8  }
0x201: {  	v55 =	vadd.f32 $1.000000000e+00, v8;
	_ =	sdelay $0x1  }
0x202: {  	(erf) = vrcp.f32 v55;
	_ =	sdelay $0x7  }
0x203: {  	v8 =	vadd.f32 $-1.000000000e+00, v8  }
0x204: {  	v9 =	vpop (erf)  }
0x205: {  	v8 =	vmul.f32 v9, v8;
	_ =	sdelay $0x1  }
0x206: {  	vm0 =	vlt.f32 v6, v4;
	v56 =	vmul.f32 v8, v8  }
0x207: {  	v4 =	vsel vm0, $0x1, v3  }
0x208: {  	v4 =	vadd.s32 v4, v5;
	v5 =	vmul.f32 $1.428571490e-01, v56  }
0x209: {  	v4 =	vmax.u32 v4, $0x1  }
0x20a: {  	v4 =	vmin.u32 v4, $0x64;
	v5 =	vadd.f32 $2.000000030e-01, v5  }
0x20b: {  	v58 =	vmov s31;
	v59 =	vor.u32 s31, v0;
	v4 =	vadd.s32 $0xFFFFFFFF, v4  }
0x20c: {  	v10 =	vand.u32 $0x80, v58;
	v57 =	vshll.u32 v4, $0x8;
	v5 =	vmul.f32 v5, v56  }
0x20d: {  	v60 =	vand.u32 $0x7F, v59;
	v9 =	vor.u32 v10, v57  }
0x20e: {  	v9 =	vor.u32 v60, v9;
	v5 =	vadd.f32 $3.333333430e-01, v5;
	_ =	sdelay $0x1  }
0x20f: {  	v7 =	vshra.s32 v7, $0x17;
	v5 =	vmul.f32 v5, v56  }
0x210: {  	v61 =	vadd.s32 $0xFFFFFF81, v7  }
0x211: {  	v6 =	vcvt.s32.f32 v61;
	v62 =	vadd.f32 v8, v8;
	v5 =	vadd.f32 $1.000000000e+00, v5  }
0x212: {  	v63 =	vld.idx.msk [tilespmem:v9+s3+$0x0], $0xffff  }
0x213: {  	v6 =	vmul.f32 $6.931471820e-01, v6;
	v5 =	vmul.f32 v5, v62  }
0x214: {  	v4 =	vld.idx.msk [tilespmem:v4+s28+$0x0], $0xffff  }
0x215: {  	s25 =	sadd.s32 $0x1, s25;
	v5 =	vadd.f32 v5, v6  }
0x216: {  	p0 =	sne.s32 s25, $0x10  }
.Ltmp10:
0x217: {  	v5 =	vsub.f32 v5, v63;
	(pc) =	sbr.rel @p0 .LBB2_20-.Ltmp10, $3  }
0x218: {  	_ = 	snop  }
0x219: {  	v4 =	vadd.f32 v4, v5;
	_ =	sdelay $0x1  }
0x21a: {  	s2 =	sadd.s32 $0x10, s2;
	s1 =	sadd.s32 $0x1, s1;
	[tilespmem:s4+$0xCC00] =	vst v4  }
0x21b: {  	_ =	swait.ge [sflag:s29], $0x6400  }
0x21c: {  	s1 =	simm.s32 $0x0;
	[sflag:s29] =	ssyncset.done $0x0  }
0x21d: {  	s2 =	simm.s32 $0x0;
	s25 =	simm.s32 $0x0;
	[sflag:s29] =	ssyncadd.s32 $0xFFFF9C00  }
.LBB2_24:
0x21e: {  	_ =	sdelay $0x3  }
0x21f: {  	s31 =	sshll.u32 s25, $0x4;
	v5 =	vld.idx.msk [tilespmem:v2+s23+$0x0], $0xffff  }
0x220: {  	v4 =	vld [tilespmem:s31+$0xCB00];
	_ =	sdelay $0x4  }
0x221: {  	vm0 =	vlt.f32 v5, v4  }
0x222: {  	v5 =	vsel vm0, $0x32, v3  }
0x223: {  	v6 =	vadd.s32 $0x18, v5;
	_ =	sdelay $0x4  }
0x224: {  	v6 =	vld.idx.msk [tilespmem:v6+s23+$0x0], $0xffff;
	_ =	sdelay $0x4  }
0x225: {  	vm10 =	vlt.f32 v6, v4;
	v6 =	vadd.s32 $0x19, v5  }
0x226: {  	v5 =	vsel vm10, v6, v5  }
0x227: {  	v6 =	vadd.s32 $0xC, v5;
	_ =	sdelay $0x4  }
0x228: {  	v6 =	vld.idx.msk [tilespmem:v6+s23+$0x0], $0xffff;
	_ =	sdelay $0x4  }
0x229: {  	vm11 =	vlt.f32 v6, v4;
	v6 =	vadd.s32 $0xD, v5  }
0x22a: {  	v5 =	vsel vm11, v6, v5  }
0x22b: {  	v6 =	vadd.s32 $0x5, v5;
	_ =	sdelay $0x4  }
0x22c: {  	v6 =	vld.idx.msk [tilespmem:v6+s23+$0x0], $0xffff;
	_ =	sdelay $0x4  }
0x22d: {  	vm12 =	vlt.f32 v6, v4;
	v6 =	vadd.s32 $0x6, v5  }
0x22e: {  	v5 =	vsel vm12, v6, v5  }
0x22f: {  	v6 =	vadd.s32 $0x2, v5;
	_ =	sdelay $0x4  }
0x230: {  	v6 =	vld.idx.msk [tilespmem:v6+s23+$0x0], $0xffff;
	_ =	sdelay $0x4  }
0x231: {  	vm13 =	vlt.f32 v6, v4;
	v6 =	vadd.s32 $0x3, v5  }
0x232: {  	v5 =	vsel vm13, v6, v5  }
0x233: {  	v6 =	vadd.s32 $0x1, v5;
	_ =	sdelay $0x4  }
0x234: {  	v6 =	vld.idx.msk [tilespmem:v6+s23+$0x0], $0xffff  }
0x235: {  	s4 =	sshll.u32 s2, $0x2;
	s5 =	sand.u32 $0x7, s1  }
0x236: {  	s4 =	sand.u32 $0xFFFFFE00, s4;
	s5 =	sshll.u32 s5, $0x6  }
0x237: {  	s4 =	sor.u32 s5, s4  }
0x238: {  	s4 =	sshrl.u32 s4, $0x2  }
0x239: {  	s6 =	sadd.s32 $0x6900, s4;
	vm14 =	vlt.f32 v6, v4;
	v6 =	vadd.s32 $0x2, v5  }
0x23a: {  	v5 =	vsel vm14, v6, v5;
	v6 =	vld [tilespmem:s6+$0xFFFFFB00];
	_ =	sdelay $0x3  }
0x23b: {  	v7 =	vld [tilespmem:s6+$0xFFFFFC00]  }
0x23c: {  	v6 =	vmul.f32 $1.442695020e+00, v6;
	_ =	sdelay $0x1  }
0x23d: {  	(erf) = vpow2.f32 v6;
	v6 =	vld [tilespmem:s6+$0xFFFFFD00]  }
0x23e: {  	v8 =	vld.idx.msk [tilespmem:v5+s23+$0x0], $0xffff  }
0x23f: {  	v9 =	vld [tilespmem:s6+$0xFFFFFE00];
	v7 =	vmul.f32 $1.442695020e+00, v7;
	_ =	sdelay $0x1  }
0x240: {  	(erf) = vpow2.f32 v7;
	v7 =	vld [tilespmem:s6+$0xFFFFFF00]  }
0x241: {  	v10 =	vld [tilespmem:s6+$0x0];
	v6 =	vmul.f32 $1.442695020e+00, v6  }
0x242: {  	vm15 =	vlt.f32 v8, v4  }
0x243: {  	v9 =	vmul.f32 $1.442695020e+00, v9;
	v8 =	vsel vm15, $0x1, v3;
	(erf) = vpow2.f32 v6  }
0x244: {  	v5 =	vadd.s32 v8, v5;
	v8 =	vld [tilespmem:s6+$0x100]  }
0x245: {  	v7 =	vmul.f32 $1.442695020e+00, v7;
	(erf) = vpow2.f32 v9  }
0x246: {  	v11 =	vld [tilespmem:s6+$0x200];
	v9 =	vmul.f32 $1.442695020e+00, v10  }
0x247: {  	v10 =	vpop (erf);
	(erf) = vpow2.f32 v7  }
0x248: {  	v12 =	vimm.f32 $0.0e+00;
	v7 =	vld [tilespmem:s6+$0x300]  }
0x249: {  	v10 =	vadd.f32 v10, v12;
	v63 =	vmul.f32 $1.442695020e+00, v8;
	(erf) = vpow2.f32 v9  }
0x24a: {  	v8 =	vld [tilespmem:s6+$0x400];
	v9 =	vpop (erf)  }
0x24b: {  	s5 =	simm.s32 $0x0;
	s4 =	sor.u32 $0x300, s31;
	v6 =	vld.idx.msk [tilespmem:v5+s23+$0x0], $0xffff;
	s6 =	sadd.s32 $0xA00, s6;
	(erf) = vpow2.f32 v63;
	v10 =	vadd.f32 v9, v10;
	v9 =	vmul.f32 $1.442695020e+00, v11  }
.LBB2_25:
0x24c: {  	v11 =	vld [tilespmem:s6+$0xFFFFFB00];
	s5 =	sadd.s32 $0xA, s5;
	v12 =	vpop (erf)  }
0x24d: {  	p0 =	slt.u32 s5, $0x5A;
	v10 =	vadd.f32 v12, v10;
	v7 =	vmul.f32 $1.442695020e+00, v7;
	(erf) = vpow2.f32 v9  }
0x24e: {  	v9 =	vld [tilespmem:s6+$0xFFFFFC00];
	v12 =	vpop (erf)  }
0x24f: {  	v10 =	vadd.f32 v12, v10;
	v8 =	vmul.f32 $1.442695020e+00, v8;
	(erf) = vpow2.f32 v7  }
0x250: {  	v7 =	vld [tilespmem:s6+$0xFFFFFD00];
	v12 =	vpop (erf)  }
0x251: {  	v11 =	vmul.f32 $1.442695020e+00, v11;
	v10 =	vadd.f32 v12, v10;
	(erf) = vpow2.f32 v8  }
0x252: {  	v8 =	vld [tilespmem:s6+$0xFFFFFE00];
	v12 =	vpop (erf)  }
0x253: {  	v9 =	vmul.f32 $1.442695020e+00, v9;
	(erf) = vpow2.f32 v11;
	v10 =	vadd.f32 v12, v10  }
0x254: {  	v11 =	vld [tilespmem:s6+$0xFFFFFF00];
	v12 =	vpop (erf)  }
0x255: {  	v7 =	vmul.f32 $1.442695020e+00, v7;
	(erf) = vpow2.f32 v9;
	v9 =	vadd.f32 v12, v10  }
0x256: {  	v10 =	vld [tilespmem:s6+$0x0];
	v12 =	vpop (erf)  }
0x257: {  	v13 =	vmul.f32 $1.442695020e+00, v8;
	(erf) = vpow2.f32 v7;
	v7 =	vadd.f32 v12, v9  }
0x258: {  	v9 =	vld [tilespmem:s6+$0x100];
	v12 =	vpop (erf)  }
0x259: {  	v14 =	vmul.f32 $1.442695020e+00, v11;
	(erf) = vpow2.f32 v13;
	v7 =	vadd.f32 v12, v7  }
0x25a: {  	v12 =	vld [tilespmem:s6+$0x200];
	v8 =	vpop (erf)  }
.Ltmp11:
0x25b: {  	v10 =	vmul.f32 $1.442695020e+00, v10;
	(erf) = vpow2.f32 v14;
	v8 =	vadd.f32 v8, v7;
	(pc) =	sbr.rel @p0 .LBB2_25-.Ltmp11, $4  }
0x25c: {  	v7 =	vld [tilespmem:s6+$0x300];
	v11 =	vpop (erf)  }
0x25d: {  	v11 =	vadd.f32 v11, v8;
	v13 =	vmul.f32 $1.442695020e+00, v9;
	(erf) = vpow2.f32 v10  }
0x25e: {  	v8 =	vld [tilespmem:s6+$0x400];
	v9 =	vpop (erf)  }
0x25f: {  	s6 =	sadd.s32 $0xA00, s6;
	v10 =	vadd.f32 v9, v11;
	v9 =	vmul.f32 $1.442695020e+00, v12;
	(erf) = vpow2.f32 v13  }
0x260: {  	v11 =	vpop (erf)  }
0x261: {  	v10 =	vadd.f32 v11, v10;
	v7 =	vmul.f32 $1.442695020e+00, v7;
	(erf) = vpow2.f32 v9  }
0x262: {  	v48 =	vpop (erf)  }
0x263: {  	v9 =	vadd.f32 v48, v10;
	v8 =	vmul.f32 $1.442695020e+00, v8;
	(erf) = vpow2.f32 v7  }
0x264: {  	v49 =	vpop (erf)  }
0x265: {  	v7 =	vadd.f32 v49, v9;
	(erf) = vpow2.f32 v8  }
0x266: {  	v50 =	vpop (erf)  }
0x267: {  	v7 =	vadd.f32 v50, v7  }
0x268: {  	v51 =	vpop (erf)  }
0x269: {  	v7 =	vadd.f32 v51, v7  }
0x26a: {  	v52 =	vpop (erf)  }
0x26b: {  	v7 =	vadd.f32 v52, v7  }
0x26c: {  	v53 =	vpop (erf)  }
0x26d: {  	v7 =	vadd.f32 v53, v7  }
0x26e: {  	v54 =	vpop (erf)  }
0x26f: {  	v7 =	vadd.f32 v54, v7;
	_ =	sdelay $0x1  }
0x270: {  	v8 =	vand.u32 $0x7FFFFF, v7  }
0x271: {  	v8 =	vor.u32 $0x3F800000, v8  }
0x272: {  	v55 =	vadd.f32 $1.000000000e+00, v8;
	_ =	sdelay $0x1  }
0x273: {  	(erf) = vrcp.f32 v55;
	_ =	sdelay $0x7  }
0x274: {  	v8 =	vadd.f32 $-1.000000000e+00, v8  }
0x275: {  	v9 =	vpop (erf)  }
0x276: {  	v8 =	vmul.f32 v9, v8;
	_ =	sdelay $0x1  }
0x277: {  	vm0 =	vlt.f32 v6, v4;
	v56 =	vmul.f32 v8, v8  }
0x278: {  	v4 =	vsel vm0, $0x1, v3  }
0x279: {  	v4 =	vadd.s32 v4, v5;
	v5 =	vmul.f32 $1.428571490e-01, v56  }
0x27a: {  	v4 =	vmax.u32 v4, $0x1  }
0x27b: {  	v4 =	vmin.u32 v4, $0x64;
	v5 =	vadd.f32 $2.000000030e-01, v5  }
0x27c: {  	v58 =	vmov s31;
	v59 =	vor.u32 s31, v0;
	v4 =	vadd.s32 $0xFFFFFFFF, v4  }
0x27d: {  	v10 =	vand.u32 $0x80, v58;
	v57 =	vshll.u32 v4, $0x8;
	v5 =	vmul.f32 v5, v56  }
0x27e: {  	v60 =	vand.u32 $0x7F, v59;
	v9 =	vor.u32 v10, v57  }
0x27f: {  	v9 =	vor.u32 v60, v9;
	v5 =	vadd.f32 $3.333333430e-01, v5;
	_ =	sdelay $0x1  }
0x280: {  	v7 =	vshra.s32 v7, $0x17;
	v5 =	vmul.f32 v5, v56  }
0x281: {  	v61 =	vadd.s32 $0xFFFFFF81, v7  }
0x282: {  	v6 =	vcvt.s32.f32 v61;
	v62 =	vadd.f32 v8, v8;
	v5 =	vadd.f32 $1.000000000e+00, v5  }
0x283: {  	v63 =	vld.idx.msk [tilespmem:v9+s30+$0x0], $0xffff  }
0x284: {  	v6 =	vmul.f32 $6.931471820e-01, v6;
	v5 =	vmul.f32 v5, v62  }
0x285: {  	v4 =	vld.idx.msk [tilespmem:v4+s28+$0x0], $0xffff  }
0x286: {  	s25 =	sadd.s32 $0x1, s25;
	v5 =	vadd.f32 v5, v6  }
0x287: {  	p0 =	sne.s32 s25, $0x10  }
.Ltmp12:
0x288: {  	v5 =	vsub.f32 v5, v63;
	(pc) =	sbr.rel @p0 .LBB2_24-.Ltmp12, $3  }
0x289: {  	_ = 	snop  }
0x28a: {  	v4 =	vadd.f32 v4, v5;
	_ =	sdelay $0x1  }
0x28b: {  	s2 =	sadd.s32 $0x10, s2;
	s1 =	sadd.s32 $0x1, s1;
	[tilespmem:s4+$0xCC00] =	vst v4  }
0x28c: {  	s1 =	rddreg [dreg:$0x6];
	s2 =	simm.s32 $0xCC00  }
0x28d: {  	[hbm4b:s1+s3] =	stream.linear.scatter [tilespmem:s2], [sflag:$0x3], $0x400, $0x38;
	[tilespmem:$0xD100] =	vst v63  }
0x28e: {  	_ =	swait.ge [sflag:s24], $0x400  }
0x28f: {  	s0 =	sadd.s32 $0x1, s0;
	s31 =	rddreg [dreg:$0x7]  }
0x290: {  	p0 =	sne.s32 s0, s31  }
.Ltmp13:
0x291: {  	_ = 	snop;
	(pc) =	sbr.rel @p0 .LBB2_1-.Ltmp13, $3  }
0x292: {  	_ =	sdelay $0x1  }
0x293: {  	[sflag:s24] =	ssyncset.done $0x0  }
0x294: {  	[sflag:s24] =	ssyncadd.s32 $0xFFFFFC00  }
0x295: {  	_ =	sfence.sel $0x180000  }
0x296: {  	[bflag:$0x0] =	sbarrier.arrive $0xFFFF  }
0x297: {  	_ =	strace $0x90000047  }
0x298: {  	s0 =	stileid.u32;
	[bflag:$0x2] =	sbarrier.arrive $0xFFFF  }
0x299: {  	p0 =	sne.s32 s0, $0x0;
	s0 =	rddreg [dreg:$0x4]  }
0x29a: {  	s0 =	sadd.s32 @!p0 $0x100000, s0  }
0x29b: {  	[sflag:s0] =	ssyncadd.tile.s32 @!p0 $0x1;
	_ =	shalt  }
.Lfunc_end2:
_tile_overlayer_lowered:
.L_overlay_start_2:
0x29c: {  	(tag) =	ssettag $0x2  }
0x29d: {  	s0 =	rddreg [dreg:$0x0];
	s2 =	stileid.u32  }
0x29e: {  	s1 =	rddreg [dreg:$0x1];
	p0 =	sne.s32 s2, $0x0  }
0x29f: {  	s3 =	rddreg [dreg:$0x2];
	[bflag:$0x3] =	sbarrier.arrive $0xFFFF;
	s2 =	simm.s32 @!p0 $0x1C03  }
0x2a0: {  	[timem:s3], [sflag:s2] =	dma.local @!p0 [hbm:s0], s1  }
0x2a1: {  	s0 =	simm.s32 @!p0 $0x3  }
0x2a2: {  	_ =	swait.ge @!p0 [sflag:s0], s1  }
0x2a3: {  	s1 =	ssub.s32 @!p0 $0x0, s1;
	[sflag:s0] =	ssyncset.done @!p0 $0x0  }
0x2a4: {  	[sflag:s0] =	ssyncadd.s32 @!p0 s1  }
0x2a5: {  	[bflag:$0x3] =	sbarrier.arrive $0xFFFF  }
0x2a6: {  	_ =	shalt  }

</sc_bundles>
